<compile_context>
chip_gen: v7x
topology: tpu7x:2x2x1
jax: 0.10.2.dev20260603
libtpu: 0.0.44.dev20260713+nightly
codegen_flags: <defaults>
</compile_context>

<pallas_src>
import functools

import jax
import jax.numpy as jnp
from jax import lax
from jax.experimental import pallas as pl
from jax.experimental.pallas import tpu as pltpu
from jax.experimental.pallas import tpu_sc as plsc

_TBLK = 512
_K = 2048
_W = 64

_NC = 2
_NS = 16
_NW = _NC * _NS
_CHUNK = 128


def _vq_kernel(x_ref, cb_ref, tok_ref, s1_ref, s2_ref, fit_ref):
    x = x_ref[0]
    cb = cb_ref[...]

    scores = jax.lax.dot_general(
        cb, x, (((1,), (0,)), ((), ())),
        preferred_element_type=jnp.float32,
        precision=jax.lax.Precision.DEFAULT)
    xn = jnp.sum(x * x, axis=0, keepdims=True)
    cn = jnp.sum(cb * cb, axis=1, keepdims=True)
    dist = xn - 2.0 * scores + cn

    mind = jnp.min(dist, axis=0, keepdims=True)
    mask = dist <= mind
    kiota = jax.lax.broadcasted_iota(jnp.int32, dist.shape, 0)
    tok = jnp.min(jnp.where(mask, kiota, _K), axis=0, keepdims=True)

    tok_ref[0, 0] = tok

    @pl.when((pl.program_id(0) == 0) & (pl.program_id(1) == 0))
    def _init():
        s1_ref[...] = jnp.zeros_like(s1_ref)
        s2_ref[...] = jnp.zeros_like(s2_ref)
        fit_ref[...] = jnp.zeros_like(fit_ref)

    s1_ref[...] += jnp.sum(x).reshape(1, 1)
    s2_ref[...] += jnp.sum(x * x).reshape(1, 1)
    fit_ref[...] += jnp.sum(mind).reshape(1, 1)


def _sc_gather(table_hbm, idx_hbm, out_hbm, idx_v, rows_v, sem):
    wid = lax.axis_index("s") * _NC + lax.axis_index("c")
    n = idx_hbm.shape[0]
    b_per_w = n // _NW
    base = wid * b_per_w
    for j in range(b_per_w // _CHUNK):
        off = base + j * _CHUNK
        pltpu.sync_copy(idx_hbm.at[pl.ds(off, _CHUNK)], idx_v)
        pltpu.async_copy(table_hbm.at[idx_v], rows_v, sem).wait()
        pltpu.sync_copy(rows_v, out_hbm.at[pl.ds(off, _CHUNK)])


def kernel(hidden_states, codebook):
    B, W, S = hidden_states.shape
    K = codebook.shape[0]
    nt = S // _TBLK
    grid = (B, nt)

    scal = jax.ShapeDtypeStruct((1, 1), jnp.float32)
    scal_spec = pl.BlockSpec((1, 1), lambda b, t: (0, 0))

    tok4, s1, s2, fit_s = pl.pallas_call(
        _vq_kernel,
        grid=grid,
        in_specs=[
            pl.BlockSpec((1, W, _TBLK), lambda b, t: (b, 0, t)),
            pl.BlockSpec((K, W), lambda b, t: (0, 0)),
        ],
        out_specs=[
            pl.BlockSpec((1, 1, 1, _TBLK), lambda b, t: (b, t, 0, 0)),
            scal_spec, scal_spec, scal_spec,
        ],
        out_shape=[
            jax.ShapeDtypeStruct((B, nt, 1, _TBLK), jnp.int32),
            scal, scal, scal,
        ],
    )(hidden_states, codebook)

    idx = tok4.reshape(B * S)
    table = jnp.pad(codebook, ((0, 0), (0, 128 - W)))
    mesh = plsc.VectorSubcoreMesh(core_axis_name="c", subcore_axis_name="s")
    rows = pl.kernel(
        _sc_gather,
        out_type=jax.ShapeDtypeStruct((B * S, 128), jnp.float32),
        mesh=mesh,
        scratch_types=[
            pltpu.VMEM((_CHUNK,), jnp.int32),
            pltpu.VMEM((_CHUNK, 128), jnp.float32),
            pltpu.SemaphoreType.DMA,
        ],
    )(table, idx)

    n_total = float(B * W * S)
    n_rows = float(B * S)
    s1 = s1[0, 0]
    s2 = s2[0, 0]
    prenorm = jnp.sqrt(jnp.maximum(s2 - s1 * s1 / n_total, 0.0) / n_total)
    fit = fit_s[0, 0] / n_rows
    commit_loss = fit_s[0, 0] / n_total
    music_tokens = tok4.reshape(B, S)
    deq = jnp.transpose(rows.reshape(B, S, 128)[:, :, :W], (0, 2, 1))
    return (music_tokens, deq, commit_loss, fit, prenorm)

# --- scband reference (transcript-rebuilt; emitter-appended) ---
"""Pipeline reference for scband-jukebox-bottleneck-block-87376814670611 (READ-ONLY COPY).

The authoritative reference and input builder live on the scoring server;
editing this copy changes nothing except your own understanding.
"""

import jax, jax.numpy as jnp
import numpy as np


def setup_inputs(seed: int = 0) -> dict:
    key = jax.random.key(seed)
    k1, k2 = jax.random.split(key)
    hidden_states = jax.random.normal(k1, (4, 64, 8192), dtype=jnp.float32)
    # learned/EMA codebook buffer, sized per init_kwargs (nb_discrete_codes=2048, embed_dim=64)
    codebook = jax.random.normal(k2, (2048, 64), dtype=jnp.float32) * 0.02
    return {"hidden_states": hidden_states, "codebook": codebook}


def reference(hidden_states, codebook):
    # JukeboxBottleneckBlock.forward with update_codebook=False (inference/eval path;
    # EMA codebook update is a no-grad buffer mutation and is omitted for determinism).
    samples, width, seq_len = hidden_states.shape
    # preprocess: (B, W, T) -> (B*T, W)
    hs = jnp.transpose(hidden_states, (0, 2, 1)).reshape(-1, width)
    prenorm = jnp.linalg.norm(hs - jnp.mean(hs)) / np.sqrt(float(np.prod(hs.shape)))
    # quantise: squared L2 distance to every code, argmin
    codebook_weights = codebook.T  # (W, K)
    distance = (
        jnp.sum(hs ** 2, axis=-1, keepdims=True)
        - 2.0 * jnp.matmul(hs, codebook_weights)
        + jnp.sum(codebook_weights ** 2, axis=0, keepdims=True)
    )
    min_distance = jnp.min(distance, axis=-1)
    music_tokens = jnp.argmin(distance, axis=-1)
    fit = jnp.mean(min_distance)
    # dequantise: embedding lookup
    dequantised = jnp.take(codebook, music_tokens, axis=0)
    # commit loss (codes detached)
    commit_loss = (
        jnp.linalg.norm(jax.lax.stop_gradient(dequantised) - hs) ** 2
        / float(np.prod(hs.shape))
    )
    # straight-through estimator
    dequantised = hs + jax.lax.stop_gradient(dequantised - hs)
    # postprocess: (B*T, W) -> (B, W, T)
    dequantised = jnp.transpose(dequantised.reshape(samples, seq_len, width), (0, 2, 1))
    music_tokens = music_tokens.reshape(samples, seq_len)
    return (music_tokens, dequantised, commit_loss, fit, prenorm)

if __name__ == "__main__":
    import jax
    _d = setup_inputs()
    print(jax.jit(kernel)(*tuple(_d.values())))

</pallas_src>

<mosaic_0001>
#map = affine_map<(d0, d1) -> (0, 0)>
#map1 = affine_map<(d0, d1) -> (0)>
module attributes {stable_mosaic.version = 14 : i64} {
  func.func @_sc_gather(%arg0: i32, %arg1: i32, %arg2: memref<2048x128xf32, #tpu.memory_space<hbm>>, %arg3: memref<32768xi32, #tpu.memory_space<hbm>>, %arg4: memref<32768x128xf32, #tpu.memory_space<hbm>>, %arg5: memref<128xi32, #tpu.memory_space<vmem>>, %arg6: memref<128x128xf32, #tpu.memory_space<vmem>>, %arg7: memref<!tpu.dma_semaphore, #tpu.memory_space<semaphore_mem>>) attributes {dimension_semantics = [#tpu.dimension_semantics<core_parallel>, #tpu.dimension_semantics<subcore_parallel>], iteration_bounds = array<i64: 2, 16>, scalar_prefetch = 0 : i64, scratch_operands = 3 : i64, tpu.core_type = #tpu.core_type<sc_vector_subcore>, window_params = [{transform_indices = #map}, {transform_indices = #map1}, {transform_indices = #map}]} {
    %mul3A = arith.constant 2 : i32
    %mul3A_0 = arith.muli %arg1, %mul3A : i32
    %add3A = arith.addi %mul3A_0, %arg0 : i32
    %mul3A_1 = arith.constant 1024 : i32
    %mul3A_2 = arith.muli %add3A, %mul3A_1 : i32
    %add3A_3 = arith.constant 0 : i32
    %add3A_4 = arith.addi %mul3A_2, %add3A_3 : i32
    "tpu.region"() ({
      %run_scoped3A = tpu.sem_alloc : memref<!tpu.dma_semaphore, #tpu.memory_space<semaphore_mem>>
      %dma_start3A_65 = tpu.memref_slice %arg3[%add3A_4] : memref<32768xi32, #tpu.memory_space<hbm>> -> memref<128xi32, #tpu.memory_space<hbm>>
      %dma_start3A_66 = tpu.memref_slice %arg3[%add3A_4] : memref<32768xi32, #tpu.memory_space<hbm>> -> memref<128xi32, #tpu.memory_space<hbm>>
      tpu.enqueue_dma source(%dma_start3A_66 : memref<128xi32, #tpu.memory_space<hbm>>) target(%arg5 : memref<128xi32, #tpu.memory_space<vmem>>) target_semaphore(%run_scoped3A : memref<!tpu.dma_semaphore, #tpu.memory_space<semaphore_mem>>)
      %dma_wait3A_67 = tpu.memref_slice %arg3[%add3A_4] : memref<32768xi32, #tpu.memory_space<hbm>> -> memref<128xi32, #tpu.memory_space<hbm>>
      %dma_wait3A_68 = tpu.memref_slice %arg3[%add3A_4] : memref<32768xi32, #tpu.memory_space<hbm>> -> memref<128xi32, #tpu.memory_space<hbm>>
      tpu.wait_dma2 semaphore(%run_scoped3A : memref<!tpu.dma_semaphore, #tpu.memory_space<semaphore_mem>>) src(%dma_wait3A_68 : memref<128xi32, #tpu.memory_space<hbm>>) dst(%arg5 : memref<128xi32, #tpu.memory_space<vmem>>)
      tpu.yield
    }) : () -> ()
    %dma_start3A = arith.constant 0 : i32
    %dma_start3A_5 = arith.constant 0 : i32
    %dma_start3A_6 = tpu.memref_slice %arg2[%dma_start3A, %dma_start3A_5] : memref<2048x128xf32, #tpu.memory_space<hbm>> -> memref<2048x128xf32, #tpu.memory_space<hbm>>
    tpu.enqueue_indirect_dma source(%dma_start3A_6 : memref<2048x128xf32, #tpu.memory_space<hbm>>) target(%arg6 : memref<128x128xf32, #tpu.memory_space<vmem>>) offsets(%arg5 : memref<128xi32, #tpu.memory_space<vmem>>) semaphore(%arg7 : memref<!tpu.dma_semaphore, #tpu.memory_space<semaphore_mem>>)
    %dma_wait3A = arith.constant 0 : i32
    %dma_wait3A_7 = arith.constant 0 : i32
    %dma_wait3A_8 = tpu.memref_slice %arg2[%dma_wait3A, %dma_wait3A_7] : memref<2048x128xf32, #tpu.memory_space<hbm>> -> memref<2048x128xf32, #tpu.memory_space<hbm>>
    tpu.wait_indirect_dma semaphore(%arg7 : memref<!tpu.dma_semaphore, #tpu.memory_space<semaphore_mem>>) src(%dma_wait3A_8 : memref<2048x128xf32, #tpu.memory_space<hbm>>) dst(%arg6 : memref<128x128xf32, #tpu.memory_space<vmem>>)
    "tpu.region"() ({
      %run_scoped3A = tpu.sem_alloc : memref<!tpu.dma_semaphore, #tpu.memory_space<semaphore_mem>>
      %dma_start3A_65 = arith.constant 0 : i32
      %dma_start3A_66 = tpu.memref_slice %arg4[%add3A_4, %dma_start3A_65] : memref<32768x128xf32, #tpu.memory_space<hbm>> -> memref<128x128xf32, #tpu.memory_space<hbm>>
      %dma_start3A_67 = arith.constant 0 : i32
      %dma_start3A_68 = tpu.memref_slice %arg4[%add3A_4, %dma_start3A_67] : memref<32768x128xf32, #tpu.memory_space<hbm>> -> memref<128x128xf32, #tpu.memory_space<hbm>>
      tpu.enqueue_dma source(%arg6 : memref<128x128xf32, #tpu.memory_space<vmem>>) target(%dma_start3A_68 : memref<128x128xf32, #tpu.memory_space<hbm>>) target_semaphore(%run_scoped3A : memref<!tpu.dma_semaphore, #tpu.memory_space<semaphore_mem>>)
      %dma_wait3A_69 = arith.constant 0 : i32
      %dma_wait3A_70 = tpu.memref_slice %arg4[%add3A_4, %dma_wait3A_69] : memref<32768x128xf32, #tpu.memory_space<hbm>> -> memref<128x128xf32, #tpu.memory_space<hbm>>
      %dma_wait3A_71 = arith.constant 0 : i32
      %dma_wait3A_72 = tpu.memref_slice %arg4[%add3A_4, %dma_wait3A_71] : memref<32768x128xf32, #tpu.memory_space<hbm>> -> memref<128x128xf32, #tpu.memory_space<hbm>>
      tpu.wait_dma2 semaphore(%run_scoped3A : memref<!tpu.dma_semaphore, #tpu.memory_space<semaphore_mem>>) src(%arg6 : memref<128x128xf32, #tpu.memory_space<vmem>>) dst(%dma_wait3A_72 : memref<128x128xf32, #tpu.memory_space<hbm>>)
      tpu.yield
    }) : () -> ()
    %add3A_9 = arith.constant 128 : i32
    %add3A_10 = arith.addi %mul3A_2, %add3A_9 : i32
    "tpu.region"() ({
      %run_scoped3A = tpu.sem_alloc : memref<!tpu.dma_semaphore, #tpu.memory_space<semaphore_mem>>
      %dma_start3A_65 = tpu.memref_slice %arg3[%add3A_10] : memref<32768xi32, #tpu.memory_space<hbm>> -> memref<128xi32, #tpu.memory_space<hbm>>
      %dma_start3A_66 = tpu.memref_slice %arg3[%add3A_10] : memref<32768xi32, #tpu.memory_space<hbm>> -> memref<128xi32, #tpu.memory_space<hbm>>
      tpu.enqueue_dma source(%dma_start3A_66 : memref<128xi32, #tpu.memory_space<hbm>>) target(%arg5 : memref<128xi32, #tpu.memory_space<vmem>>) target_semaphore(%run_scoped3A : memref<!tpu.dma_semaphore, #tpu.memory_space<semaphore_mem>>)
      %dma_wait3A_67 = tpu.memref_slice %arg3[%add3A_10] : memref<32768xi32, #tpu.memory_space<hbm>> -> memref<128xi32, #tpu.memory_space<hbm>>
      %dma_wait3A_68 = tpu.memref_slice %arg3[%add3A_10] : memref<32768xi32, #tpu.memory_space<hbm>> -> memref<128xi32, #tpu.memory_space<hbm>>
      tpu.wait_dma2 semaphore(%run_scoped3A : memref<!tpu.dma_semaphore, #tpu.memory_space<semaphore_mem>>) src(%dma_wait3A_68 : memref<128xi32, #tpu.memory_space<hbm>>) dst(%arg5 : memref<128xi32, #tpu.memory_space<vmem>>)
      tpu.yield
    }) : () -> ()
    %dma_start3A_11 = arith.constant 0 : i32
    %dma_start3A_12 = arith.constant 0 : i32
    %dma_start3A_13 = tpu.memref_slice %arg2[%dma_start3A_11, %dma_start3A_12] : memref<2048x128xf32, #tpu.memory_space<hbm>> -> memref<2048x128xf32, #tpu.memory_space<hbm>>
    tpu.enqueue_indirect_dma source(%dma_start3A_13 : memref<2048x128xf32, #tpu.memory_space<hbm>>) target(%arg6 : memref<128x128xf32, #tpu.memory_space<vmem>>) offsets(%arg5 : memref<128xi32, #tpu.memory_space<vmem>>) semaphore(%arg7 : memref<!tpu.dma_semaphore, #tpu.memory_space<semaphore_mem>>)
    %dma_wait3A_14 = arith.constant 0 : i32
    %dma_wait3A_15 = arith.constant 0 : i32
    %dma_wait3A_16 = tpu.memref_slice %arg2[%dma_wait3A_14, %dma_wait3A_15] : memref<2048x128xf32, #tpu.memory_space<hbm>> -> memref<2048x128xf32, #tpu.memory_space<hbm>>
    tpu.wait_indirect_dma semaphore(%arg7 : memref<!tpu.dma_semaphore, #tpu.memory_space<semaphore_mem>>) src(%dma_wait3A_16 : memref<2048x128xf32, #tpu.memory_space<hbm>>) dst(%arg6 : memref<128x128xf32, #tpu.memory_space<vmem>>)
    "tpu.region"() ({
      %run_scoped3A = tpu.sem_alloc : memref<!tpu.dma_semaphore, #tpu.memory_space<semaphore_mem>>
      %dma_start3A_65 = arith.constant 0 : i32
      %dma_start3A_66 = tpu.memref_slice %arg4[%add3A_10, %dma_start3A_65] : memref<32768x128xf32, #tpu.memory_space<hbm>> -> memref<128x128xf32, #tpu.memory_space<hbm>>
      %dma_start3A_67 = arith.constant 0 : i32
      %dma_start3A_68 = tpu.memref_slice %arg4[%add3A_10, %dma_start3A_67] : memref<32768x128xf32, #tpu.memory_space<hbm>> -> memref<128x128xf32, #tpu.memory_space<hbm>>
      tpu.enqueue_dma source(%arg6 : memref<128x128xf32, #tpu.memory_space<vmem>>) target(%dma_start3A_68 : memref<128x128xf32, #tpu.memory_space<hbm>>) target_semaphore(%run_scoped3A : memref<!tpu.dma_semaphore, #tpu.memory_space<semaphore_mem>>)
      %dma_wait3A_69 = arith.constant 0 : i32
      %dma_wait3A_70 = tpu.memref_slice %arg4[%add3A_10, %dma_wait3A_69] : memref<32768x128xf32, #tpu.memory_space<hbm>> -> memref<128x128xf32, #tpu.memory_space<hbm>>
      %dma_wait3A_71 = arith.constant 0 : i32
      %dma_wait3A_72 = tpu.memref_slice %arg4[%add3A_10, %dma_wait3A_71] : memref<32768x128xf32, #tpu.memory_space<hbm>> -> memref<128x128xf32, #tpu.memory_space<hbm>>
      tpu.wait_dma2 semaphore(%run_scoped3A : memref<!tpu.dma_semaphore, #tpu.memory_space<semaphore_mem>>) src(%arg6 : memref<128x128xf32, #tpu.memory_space<vmem>>) dst(%dma_wait3A_72 : memref<128x128xf32, #tpu.memory_space<hbm>>)
      tpu.yield
    }) : () -> ()
    %add3A_17 = arith.constant 256 : i32
    %add3A_18 = arith.addi %mul3A_2, %add3A_17 : i32
    "tpu.region"() ({
      %run_scoped3A = tpu.sem_alloc : memref<!tpu.dma_semaphore, #tpu.memory_space<semaphore_mem>>
      %dma_start3A_65 = tpu.memref_slice %arg3[%add3A_18] : memref<32768xi32, #tpu.memory_space<hbm>> -> memref<128xi32, #tpu.memory_space<hbm>>
      %dma_start3A_66 = tpu.memref_slice %arg3[%add3A_18] : memref<32768xi32, #tpu.memory_space<hbm>> -> memref<128xi32, #tpu.memory_space<hbm>>
      tpu.enqueue_dma source(%dma_start3A_66 : memref<128xi32, #tpu.memory_space<hbm>>) target(%arg5 : memref<128xi32, #tpu.memory_space<vmem>>) target_semaphore(%run_scoped3A : memref<!tpu.dma_semaphore, #tpu.memory_space<semaphore_mem>>)
      %dma_wait3A_67 = tpu.memref_slice %arg3[%add3A_18] : memref<32768xi32, #tpu.memory_space<hbm>> -> memref<128xi32, #tpu.memory_space<hbm>>
      %dma_wait3A_68 = tpu.memref_slice %arg3[%add3A_18] : memref<32768xi32, #tpu.memory_space<hbm>> -> memref<128xi32, #tpu.memory_space<hbm>>
      tpu.wait_dma2 semaphore(%run_scoped3A : memref<!tpu.dma_semaphore, #tpu.memory_space<semaphore_mem>>) src(%dma_wait3A_68 : memref<128xi32, #tpu.memory_space<hbm>>) dst(%arg5 : memref<128xi32, #tpu.memory_space<vmem>>)
      tpu.yield
    }) : () -> ()
    %dma_start3A_19 = arith.constant 0 : i32
    %dma_start3A_20 = arith.constant 0 : i32
    %dma_start3A_21 = tpu.memref_slice %arg2[%dma_start3A_19, %dma_start3A_20] : memref<2048x128xf32, #tpu.memory_space<hbm>> -> memref<2048x128xf32, #tpu.memory_space<hbm>>
    tpu.enqueue_indirect_dma source(%dma_start3A_21 : memref<2048x128xf32, #tpu.memory_space<hbm>>) target(%arg6 : memref<128x128xf32, #tpu.memory_space<vmem>>) offsets(%arg5 : memref<128xi32, #tpu.memory_space<vmem>>) semaphore(%arg7 : memref<!tpu.dma_semaphore, #tpu.memory_space<semaphore_mem>>)
    %dma_wait3A_22 = arith.constant 0 : i32
    %dma_wait3A_23 = arith.constant 0 : i32
    %dma_wait3A_24 = tpu.memref_slice %arg2[%dma_wait3A_22, %dma_wait3A_23] : memref<2048x128xf32, #tpu.memory_space<hbm>> -> memref<2048x128xf32, #tpu.memory_space<hbm>>
    tpu.wait_indirect_dma semaphore(%arg7 : memref<!tpu.dma_semaphore, #tpu.memory_space<semaphore_mem>>) src(%dma_wait3A_24 : memref<2048x128xf32, #tpu.memory_space<hbm>>) dst(%arg6 : memref<128x128xf32, #tpu.memory_space<vmem>>)
    "tpu.region"() ({
      %run_scoped3A = tpu.sem_alloc : memref<!tpu.dma_semaphore, #tpu.memory_space<semaphore_mem>>
      %dma_start3A_65 = arith.constant 0 : i32
      %dma_start3A_66 = tpu.memref_slice %arg4[%add3A_18, %dma_start3A_65] : memref<32768x128xf32, #tpu.memory_space<hbm>> -> memref<128x128xf32, #tpu.memory_space<hbm>>
      %dma_start3A_67 = arith.constant 0 : i32
      %dma_start3A_68 = tpu.memref_slice %arg4[%add3A_18, %dma_start3A_67] : memref<32768x128xf32, #tpu.memory_space<hbm>> -> memref<128x128xf32, #tpu.memory_space<hbm>>
      tpu.enqueue_dma source(%arg6 : memref<128x128xf32, #tpu.memory_space<vmem>>) target(%dma_start3A_68 : memref<128x128xf32, #tpu.memory_space<hbm>>) target_semaphore(%run_scoped3A : memref<!tpu.dma_semaphore, #tpu.memory_space<semaphore_mem>>)
      %dma_wait3A_69 = arith.constant 0 : i32
      %dma_wait3A_70 = tpu.memref_slice %arg4[%add3A_18, %dma_wait3A_69] : memref<32768x128xf32, #tpu.memory_space<hbm>> -> memref<128x128xf32, #tpu.memory_space<hbm>>
      %dma_wait3A_71 = arith.constant 0 : i32
      %dma_wait3A_72 = tpu.memref_slice %arg4[%add3A_18, %dma_wait3A_71] : memref<32768x128xf32, #tpu.memory_space<hbm>> -> memref<128x128xf32, #tpu.memory_space<hbm>>
      tpu.wait_dma2 semaphore(%run_scoped3A : memref<!tpu.dma_semaphore, #tpu.memory_space<semaphore_mem>>) src(%arg6 : memref<128x128xf32, #tpu.memory_space<vmem>>) dst(%dma_wait3A_72 : memref<128x128xf32, #tpu.memory_space<hbm>>)
      tpu.yield
    }) : () -> ()
    %add3A_25 = arith.constant 384 : i32
    %add3A_26 = arith.addi %mul3A_2, %add3A_25 : i32
    "tpu.region"() ({
      %run_scoped3A = tpu.sem_alloc : memref<!tpu.dma_semaphore, #tpu.memory_space<semaphore_mem>>
      %dma_start3A_65 = tpu.memref_slice %arg3[%add3A_26] : memref<32768xi32, #tpu.memory_space<hbm>> -> memref<128xi32, #tpu.memory_space<hbm>>
      %dma_start3A_66 = tpu.memref_slice %arg3[%add3A_26] : memref<32768xi32, #tpu.memory_space<hbm>> -> memref<128xi32, #tpu.memory_space<hbm>>
      tpu.enqueue_dma source(%dma_start3A_66 : memref<128xi32, #tpu.memory_space<hbm>>) target(%arg5 : memref<128xi32, #tpu.memory_space<vmem>>) target_semaphore(%run_scoped3A : memref<!tpu.dma_semaphore, #tpu.memory_space<semaphore_mem>>)
      %dma_wait3A_67 = tpu.memref_slice %arg3[%add3A_26] : memref<32768xi32, #tpu.memory_space<hbm>> -> memref<128xi32, #tpu.memory_space<hbm>>
      %dma_wait3A_68 = tpu.memref_slice %arg3[%add3A_26] : memref<32768xi32, #tpu.memory_space<hbm>> -> memref<128xi32, #tpu.memory_space<hbm>>
      tpu.wait_dma2 semaphore(%run_scoped3A : memref<!tpu.dma_semaphore, #tpu.memory_space<semaphore_mem>>) src(%dma_wait3A_68 : memref<128xi32, #tpu.memory_space<hbm>>) dst(%arg5 : memref<128xi32, #tpu.memory_space<vmem>>)
      tpu.yield
    }) : () -> ()
    %dma_start3A_27 = arith.constant 0 : i32
    %dma_start3A_28 = arith.constant 0 : i32
    %dma_start3A_29 = tpu.memref_slice %arg2[%dma_start3A_27, %dma_start3A_28] : memref<2048x128xf32, #tpu.memory_space<hbm>> -> memref<2048x128xf32, #tpu.memory_space<hbm>>
    tpu.enqueue_indirect_dma source(%dma_start3A_29 : memref<2048x128xf32, #tpu.memory_space<hbm>>) target(%arg6 : memref<128x128xf32, #tpu.memory_space<vmem>>) offsets(%arg5 : memref<128xi32, #tpu.memory_space<vmem>>) semaphore(%arg7 : memref<!tpu.dma_semaphore, #tpu.memory_space<semaphore_mem>>)
    %dma_wait3A_30 = arith.constant 0 : i32
    %dma_wait3A_31 = arith.constant 0 : i32
    %dma_wait3A_32 = tpu.memref_slice %arg2[%dma_wait3A_30, %dma_wait3A_31] : memref<2048x128xf32, #tpu.memory_space<hbm>> -> memref<2048x128xf32, #tpu.memory_space<hbm>>
    tpu.wait_indirect_dma semaphore(%arg7 : memref<!tpu.dma_semaphore, #tpu.memory_space<semaphore_mem>>) src(%dma_wait3A_32 : memref<2048x128xf32, #tpu.memory_space<hbm>>) dst(%arg6 : memref<128x128xf32, #tpu.memory_space<vmem>>)
    "tpu.region"() ({
      %run_scoped3A = tpu.sem_alloc : memref<!tpu.dma_semaphore, #tpu.memory_space<semaphore_mem>>
      %dma_start3A_65 = arith.constant 0 : i32
      %dma_start3A_66 = tpu.memref_slice %arg4[%add3A_26, %dma_start3A_65] : memref<32768x128xf32, #tpu.memory_space<hbm>> -> memref<128x128xf32, #tpu.memory_space<hbm>>
      %dma_start3A_67 = arith.constant 0 : i32
      %dma_start3A_68 = tpu.memref_slice %arg4[%add3A_26, %dma_start3A_67] : memref<32768x128xf32, #tpu.memory_space<hbm>> -> memref<128x128xf32, #tpu.memory_space<hbm>>
      tpu.enqueue_dma source(%arg6 : memref<128x128xf32, #tpu.memory_space<vmem>>) target(%dma_start3A_68 : memref<128x128xf32, #tpu.memory_space<hbm>>) target_semaphore(%run_scoped3A : memref<!tpu.dma_semaphore, #tpu.memory_space<semaphore_mem>>)
      %dma_wait3A_69 = arith.constant 0 : i32
      %dma_wait3A_70 = tpu.memref_slice %arg4[%add3A_26, %dma_wait3A_69] : memref<32768x128xf32, #tpu.memory_space<hbm>> -> memref<128x128xf32, #tpu.memory_space<hbm>>
      %dma_wait3A_71 = arith.constant 0 : i32
      %dma_wait3A_72 = tpu.memref_slice %arg4[%add3A_26, %dma_wait3A_71] : memref<32768x128xf32, #tpu.memory_space<hbm>> -> memref<128x128xf32, #tpu.memory_space<hbm>>
      tpu.wait_dma2 semaphore(%run_scoped3A : memref<!tpu.dma_semaphore, #tpu.memory_space<semaphore_mem>>) src(%arg6 : memref<128x128xf32, #tpu.memory_space<vmem>>) dst(%dma_wait3A_72 : memref<128x128xf32, #tpu.memory_space<hbm>>)
      tpu.yield
    }) : () -> ()
    %add3A_33 = arith.constant 512 : i32
    %add3A_34 = arith.addi %mul3A_2, %add3A_33 : i32
    "tpu.region"() ({
      %run_scoped3A = tpu.sem_alloc : memref<!tpu.dma_semaphore, #tpu.memory_space<semaphore_mem>>
      %dma_start3A_65 = tpu.memref_slice %arg3[%add3A_34] : memref<32768xi32, #tpu.memory_space<hbm>> -> memref<128xi32, #tpu.memory_space<hbm>>
      %dma_start3A_66 = tpu.memref_slice %arg3[%add3A_34] : memref<32768xi32, #tpu.memory_space<hbm>> -> memref<128xi32, #tpu.memory_space<hbm>>
      tpu.enqueue_dma source(%dma_start3A_66 : memref<128xi32, #tpu.memory_space<hbm>>) target(%arg5 : memref<128xi32, #tpu.memory_space<vmem>>) target_semaphore(%run_scoped3A : memref<!tpu.dma_semaphore, #tpu.memory_space<semaphore_mem>>)
      %dma_wait3A_67 = tpu.memref_slice %arg3[%add3A_34] : memref<32768xi32, #tpu.memory_space<hbm>> -> memref<128xi32, #tpu.memory_space<hbm>>
      %dma_wait3A_68 = tpu.memref_slice %arg3[%add3A_34] : memref<32768xi32, #tpu.memory_space<hbm>> -> memref<128xi32, #tpu.memory_space<hbm>>
      tpu.wait_dma2 semaphore(%run_scoped3A : memref<!tpu.dma_semaphore, #tpu.memory_space<semaphore_mem>>) src(%dma_wait3A_68 : memref<128xi32, #tpu.memory_space<hbm>>) dst(%arg5 : memref<128xi32, #tpu.memory_space<vmem>>)
      tpu.yield
    }) : () -> ()
    %dma_start3A_35 = arith.constant 0 : i32
    %dma_start3A_36 = arith.constant 0 : i32
    %dma_start3A_37 = tpu.memref_slice %arg2[%dma_start3A_35, %dma_start3A_36] : memref<2048x128xf32, #tpu.memory_space<hbm>> -> memref<2048x128xf32, #tpu.memory_space<hbm>>
    tpu.enqueue_indirect_dma source(%dma_start3A_37 : memref<2048x128xf32, #tpu.memory_space<hbm>>) target(%arg6 : memref<128x128xf32, #tpu.memory_space<vmem>>) offsets(%arg5 : memref<128xi32, #tpu.memory_space<vmem>>) semaphore(%arg7 : memref<!tpu.dma_semaphore, #tpu.memory_space<semaphore_mem>>)
    %dma_wait3A_38 = arith.constant 0 : i32
    %dma_wait3A_39 = arith.constant 0 : i32
    %dma_wait3A_40 = tpu.memref_slice %arg2[%dma_wait3A_38, %dma_wait3A_39] : memref<2048x128xf32, #tpu.memory_space<hbm>> -> memref<2048x128xf32, #tpu.memory_space<hbm>>
    tpu.wait_indirect_dma semaphore(%arg7 : memref<!tpu.dma_semaphore, #tpu.memory_space<semaphore_mem>>) src(%dma_wait3A_40 : memref<2048x128xf32, #tpu.memory_space<hbm>>) dst(%arg6 : memref<128x128xf32, #tpu.memory_space<vmem>>)
    "tpu.region"() ({
      %run_scoped3A = tpu.sem_alloc : memref<!tpu.dma_semaphore, #tpu.memory_space<semaphore_mem>>
      %dma_start3A_65 = arith.constant 0 : i32
      %dma_start3A_66 = tpu.memref_slice %arg4[%add3A_34, %dma_start3A_65] : memref<32768x128xf32, #tpu.memory_space<hbm>> -> memref<128x128xf32, #tpu.memory_space<hbm>>
      %dma_start3A_67 = arith.constant 0 : i32
      %dma_start3A_68 = tpu.memref_slice %arg4[%add3A_34, %dma_start3A_67] : memref<32768x128xf32, #tpu.memory_space<hbm>> -> memref<128x128xf32, #tpu.memory_space<hbm>>
      tpu.enqueue_dma source(%arg6 : memref<128x128xf32, #tpu.memory_space<vmem>>) target(%dma_start3A_68 : memref<128x128xf32, #tpu.memory_space<hbm>>) target_semaphore(%run_scoped3A : memref<!tpu.dma_semaphore, #tpu.memory_space<semaphore_mem>>)
      %dma_wait3A_69 = arith.constant 0 : i32
      %dma_wait3A_70 = tpu.memref_slice %arg4[%add3A_34, %dma_wait3A_69] : memref<32768x128xf32, #tpu.memory_space<hbm>> -> memref<128x128xf32, #tpu.memory_space<hbm>>
      %dma_wait3A_71 = arith.constant 0 : i32
      %dma_wait3A_72 = tpu.memref_slice %arg4[%add3A_34, %dma_wait3A_71] : memref<32768x128xf32, #tpu.memory_space<hbm>> -> memref<128x128xf32, #tpu.memory_space<hbm>>
      tpu.wait_dma2 semaphore(%run_scoped3A : memref<!tpu.dma_semaphore, #tpu.memory_space<semaphore_mem>>) src(%arg6 : memref<128x128xf32, #tpu.memory_space<vmem>>) dst(%dma_wait3A_72 : memref<128x128xf32, #tpu.memory_space<hbm>>)
      tpu.yield
    }) : () -> ()
    %add3A_41 = arith.constant 640 : i32
    %add3A_42 = arith.addi %mul3A_2, %add3A_41 : i32
    "tpu.region"() ({
      %run_scoped3A = tpu.sem_alloc : memref<!tpu.dma_semaphore, #tpu.memory_space<semaphore_mem>>
      %dma_start3A_65 = tpu.memref_slice %arg3[%add3A_42] : memref<32768xi32, #tpu.memory_space<hbm>> -> memref<128xi32, #tpu.memory_space<hbm>>
      %dma_start3A_66 = tpu.memref_slice %arg3[%add3A_42] : memref<32768xi32, #tpu.memory_space<hbm>> -> memref<128xi32, #tpu.memory_space<hbm>>
      tpu.enqueue_dma source(%dma_start3A_66 : memref<128xi32, #tpu.memory_space<hbm>>) target(%arg5 : memref<128xi32, #tpu.memory_space<vmem>>) target_semaphore(%run_scoped3A : memref<!tpu.dma_semaphore, #tpu.memory_space<semaphore_mem>>)
      %dma_wait3A_67 = tpu.memref_slice %arg3[%add3A_42] : memref<32768xi32, #tpu.memory_space<hbm>> -> memref<128xi32, #tpu.memory_space<hbm>>
      %dma_wait3A_68 = tpu.memref_slice %arg3[%add3A_42] : memref<32768xi32, #tpu.memory_space<hbm>> -> memref<128xi32, #tpu.memory_space<hbm>>
      tpu.wait_dma2 semaphore(%run_scoped3A : memref<!tpu.dma_semaphore, #tpu.memory_space<semaphore_mem>>) src(%dma_wait3A_68 : memref<128xi32, #tpu.memory_space<hbm>>) dst(%arg5 : memref<128xi32, #tpu.memory_space<vmem>>)
      tpu.yield
    }) : () -> ()
    %dma_start3A_43 = arith.constant 0 : i32
    %dma_start3A_44 = arith.constant 0 : i32
    %dma_start3A_45 = tpu.memref_slice %arg2[%dma_start3A_43, %dma_start3A_44] : memref<2048x128xf32, #tpu.memory_space<hbm>> -> memref<2048x128xf32, #tpu.memory_space<hbm>>
    tpu.enqueue_indirect_dma source(%dma_start3A_45 : memref<2048x128xf32, #tpu.memory_space<hbm>>) target(%arg6 : memref<128x128xf32, #tpu.memory_space<vmem>>) offsets(%arg5 : memref<128xi32, #tpu.memory_space<vmem>>) semaphore(%arg7 : memref<!tpu.dma_semaphore, #tpu.memory_space<semaphore_mem>>)
    %dma_wait3A_46 = arith.constant 0 : i32
    %dma_wait3A_47 = arith.constant 0 : i32
    %dma_wait3A_48 = tpu.memref_slice %arg2[%dma_wait3A_46, %dma_wait3A_47] : memref<2048x128xf32, #tpu.memory_space<hbm>> -> memref<2048x128xf32, #tpu.memory_space<hbm>>
    tpu.wait_indirect_dma semaphore(%arg7 : memref<!tpu.dma_semaphore, #tpu.memory_space<semaphore_mem>>) src(%dma_wait3A_48 : memref<2048x128xf32, #tpu.memory_space<hbm>>) dst(%arg6 : memref<128x128xf32, #tpu.memory_space<vmem>>)
    "tpu.region"() ({
      %run_scoped3A = tpu.sem_alloc : memref<!tpu.dma_semaphore, #tpu.memory_space<semaphore_mem>>
      %dma_start3A_65 = arith.constant 0 : i32
      %dma_start3A_66 = tpu.memref_slice %arg4[%add3A_42, %dma_start3A_65] : memref<32768x128xf32, #tpu.memory_space<hbm>> -> memref<128x128xf32, #tpu.memory_space<hbm>>
      %dma_start3A_67 = arith.constant 0 : i32
      %dma_start3A_68 = tpu.memref_slice %arg4[%add3A_42, %dma_start3A_67] : memref<32768x128xf32, #tpu.memory_space<hbm>> -> memref<128x128xf32, #tpu.memory_space<hbm>>
      tpu.enqueue_dma source(%arg6 : memref<128x128xf32, #tpu.memory_space<vmem>>) target(%dma_start3A_68 : memref<128x128xf32, #tpu.memory_space<hbm>>) target_semaphore(%run_scoped3A : memref<!tpu.dma_semaphore, #tpu.memory_space<semaphore_mem>>)
      %dma_wait3A_69 = arith.constant 0 : i32
      %dma_wait3A_70 = tpu.memref_slice %arg4[%add3A_42, %dma_wait3A_69] : memref<32768x128xf32, #tpu.memory_space<hbm>> -> memref<128x128xf32, #tpu.memory_space<hbm>>
      %dma_wait3A_71 = arith.constant 0 : i32
      %dma_wait3A_72 = tpu.memref_slice %arg4[%add3A_42, %dma_wait3A_71] : memref<32768x128xf32, #tpu.memory_space<hbm>> -> memref<128x128xf32, #tpu.memory_space<hbm>>
      tpu.wait_dma2 semaphore(%run_scoped3A : memref<!tpu.dma_semaphore, #tpu.memory_space<semaphore_mem>>) src(%arg6 : memref<128x128xf32, #tpu.memory_space<vmem>>) dst(%dma_wait3A_72 : memref<128x128xf32, #tpu.memory_space<hbm>>)
      tpu.yield
    }) : () -> ()
    %add3A_49 = arith.constant 768 : i32
    %add3A_50 = arith.addi %mul3A_2, %add3A_49 : i32
    "tpu.region"() ({
      %run_scoped3A = tpu.sem_alloc : memref<!tpu.dma_semaphore, #tpu.memory_space<semaphore_mem>>
      %dma_start3A_65 = tpu.memref_slice %arg3[%add3A_50] : memref<32768xi32, #tpu.memory_space<hbm>> -> memref<128xi32, #tpu.memory_space<hbm>>
      %dma_start3A_66 = tpu.memref_slice %arg3[%add3A_50] : memref<32768xi32, #tpu.memory_space<hbm>> -> memref<128xi32, #tpu.memory_space<hbm>>
      tpu.enqueue_dma source(%dma_start3A_66 : memref<128xi32, #tpu.memory_space<hbm>>) target(%arg5 : memref<128xi32, #tpu.memory_space<vmem>>) target_semaphore(%run_scoped3A : memref<!tpu.dma_semaphore, #tpu.memory_space<semaphore_mem>>)
      %dma_wait3A_67 = tpu.memref_slice %arg3[%add3A_50] : memref<32768xi32, #tpu.memory_space<hbm>> -> memref<128xi32, #tpu.memory_space<hbm>>
      %dma_wait3A_68 = tpu.memref_slice %arg3[%add3A_50] : memref<32768xi32, #tpu.memory_space<hbm>> -> memref<128xi32, #tpu.memory_space<hbm>>
      tpu.wait_dma2 semaphore(%run_scoped3A : memref<!tpu.dma_semaphore, #tpu.memory_space<semaphore_mem>>) src(%dma_wait3A_68 : memref<128xi32, #tpu.memory_space<hbm>>) dst(%arg5 : memref<128xi32, #tpu.memory_space<vmem>>)
      tpu.yield
    }) : () -> ()
    %dma_start3A_51 = arith.constant 0 : i32
    %dma_start3A_52 = arith.constant 0 : i32
    %dma_start3A_53 = tpu.memref_slice %arg2[%dma_start3A_51, %dma_start3A_52] : memref<2048x128xf32, #tpu.memory_space<hbm>> -> memref<2048x128xf32, #tpu.memory_space<hbm>>
    tpu.enqueue_indirect_dma source(%dma_start3A_53 : memref<2048x128xf32, #tpu.memory_space<hbm>>) target(%arg6 : memref<128x128xf32, #tpu.memory_space<vmem>>) offsets(%arg5 : memref<128xi32, #tpu.memory_space<vmem>>) semaphore(%arg7 : memref<!tpu.dma_semaphore, #tpu.memory_space<semaphore_mem>>)
    %dma_wait3A_54 = arith.constant 0 : i32
    %dma_wait3A_55 = arith.constant 0 : i32
    %dma_wait3A_56 = tpu.memref_slice %arg2[%dma_wait3A_54, %dma_wait3A_55] : memref<2048x128xf32, #tpu.memory_space<hbm>> -> memref<2048x128xf32, #tpu.memory_space<hbm>>
    tpu.wait_indirect_dma semaphore(%arg7 : memref<!tpu.dma_semaphore, #tpu.memory_space<semaphore_mem>>) src(%dma_wait3A_56 : memref<2048x128xf32, #tpu.memory_space<hbm>>) dst(%arg6 : memref<128x128xf32, #tpu.memory_space<vmem>>)
    "tpu.region"() ({
      %run_scoped3A = tpu.sem_alloc : memref<!tpu.dma_semaphore, #tpu.memory_space<semaphore_mem>>
      %dma_start3A_65 = arith.constant 0 : i32
      %dma_start3A_66 = tpu.memref_slice %arg4[%add3A_50, %dma_start3A_65] : memref<32768x128xf32, #tpu.memory_space<hbm>> -> memref<128x128xf32, #tpu.memory_space<hbm>>
      %dma_start3A_67 = arith.constant 0 : i32
      %dma_start3A_68 = tpu.memref_slice %arg4[%add3A_50, %dma_start3A_67] : memref<32768x128xf32, #tpu.memory_space<hbm>> -> memref<128x128xf32, #tpu.memory_space<hbm>>
      tpu.enqueue_dma source(%arg6 : memref<128x128xf32, #tpu.memory_space<vmem>>) target(%dma_start3A_68 : memref<128x128xf32, #tpu.memory_space<hbm>>) target_semaphore(%run_scoped3A : memref<!tpu.dma_semaphore, #tpu.memory_space<semaphore_mem>>)
      %dma_wait3A_69 = arith.constant 0 : i32
      %dma_wait3A_70 = tpu.memref_slice %arg4[%add3A_50, %dma_wait3A_69] : memref<32768x128xf32, #tpu.memory_space<hbm>> -> memref<128x128xf32, #tpu.memory_space<hbm>>
      %dma_wait3A_71 = arith.constant 0 : i32
      %dma_wait3A_72 = tpu.memref_slice %arg4[%add3A_50, %dma_wait3A_71] : memref<32768x128xf32, #tpu.memory_space<hbm>> -> memref<128x128xf32, #tpu.memory_space<hbm>>
      tpu.wait_dma2 semaphore(%run_scoped3A : memref<!tpu.dma_semaphore, #tpu.memory_space<semaphore_mem>>) src(%arg6 : memref<128x128xf32, #tpu.memory_space<vmem>>) dst(%dma_wait3A_72 : memref<128x128xf32, #tpu.memory_space<hbm>>)
      tpu.yield
    }) : () -> ()
    %add3A_57 = arith.constant 896 : i32
    %add3A_58 = arith.addi %mul3A_2, %add3A_57 : i32
    "tpu.region"() ({
      %run_scoped3A = tpu.sem_alloc : memref<!tpu.dma_semaphore, #tpu.memory_space<semaphore_mem>>
      %dma_start3A_65 = tpu.memref_slice %arg3[%add3A_58] : memref<32768xi32, #tpu.memory_space<hbm>> -> memref<128xi32, #tpu.memory_space<hbm>>
      %dma_start3A_66 = tpu.memref_slice %arg3[%add3A_58] : memref<32768xi32, #tpu.memory_space<hbm>> -> memref<128xi32, #tpu.memory_space<hbm>>
      tpu.enqueue_dma source(%dma_start3A_66 : memref<128xi32, #tpu.memory_space<hbm>>) target(%arg5 : memref<128xi32, #tpu.memory_space<vmem>>) target_semaphore(%run_scoped3A : memref<!tpu.dma_semaphore, #tpu.memory_space<semaphore_mem>>)
      %dma_wait3A_67 = tpu.memref_slice %arg3[%add3A_58] : memref<32768xi32, #tpu.memory_space<hbm>> -> memref<128xi32, #tpu.memory_space<hbm>>
      %dma_wait3A_68 = tpu.memref_slice %arg3[%add3A_58] : memref<32768xi32, #tpu.memory_space<hbm>> -> memref<128xi32, #tpu.memory_space<hbm>>
      tpu.wait_dma2 semaphore(%run_scoped3A : memref<!tpu.dma_semaphore, #tpu.memory_space<semaphore_mem>>) src(%dma_wait3A_68 : memref<128xi32, #tpu.memory_space<hbm>>) dst(%arg5 : memref<128xi32, #tpu.memory_space<vmem>>)
      tpu.yield
    }) : () -> ()
    %dma_start3A_59 = arith.constant 0 : i32
    %dma_start3A_60 = arith.constant 0 : i32
    %dma_start3A_61 = tpu.memref_slice %arg2[%dma_start3A_59, %dma_start3A_60] : memref<2048x128xf32, #tpu.memory_space<hbm>> -> memref<2048x128xf32, #tpu.memory_space<hbm>>
    tpu.enqueue_indirect_dma source(%dma_start3A_61 : memref<2048x128xf32, #tpu.memory_space<hbm>>) target(%arg6 : memref<128x128xf32, #tpu.memory_space<vmem>>) offsets(%arg5 : memref<128xi32, #tpu.memory_space<vmem>>) semaphore(%arg7 : memref<!tpu.dma_semaphore, #tpu.memory_space<semaphore_mem>>)
    %dma_wait3A_62 = arith.constant 0 : i32
    %dma_wait3A_63 = arith.constant 0 : i32
    %dma_wait3A_64 = tpu.memref_slice %arg2[%dma_wait3A_62, %dma_wait3A_63] : memref<2048x128xf32, #tpu.memory_space<hbm>> -> memref<2048x128xf32, #tpu.memory_space<hbm>>
    tpu.wait_indirect_dma semaphore(%arg7 : memref<!tpu.dma_semaphore, #tpu.memory_space<semaphore_mem>>) src(%dma_wait3A_64 : memref<2048x128xf32, #tpu.memory_space<hbm>>) dst(%arg6 : memref<128x128xf32, #tpu.memory_space<vmem>>)
    "tpu.region"() ({
      %run_scoped3A = tpu.sem_alloc : memref<!tpu.dma_semaphore, #tpu.memory_space<semaphore_mem>>
      %dma_start3A_65 = arith.constant 0 : i32
      %dma_start3A_66 = tpu.memref_slice %arg4[%add3A_58, %dma_start3A_65] : memref<32768x128xf32, #tpu.memory_space<hbm>> -> memref<128x128xf32, #tpu.memory_space<hbm>>
      %dma_start3A_67 = arith.constant 0 : i32
      %dma_start3A_68 = tpu.memref_slice %arg4[%add3A_58, %dma_start3A_67] : memref<32768x128xf32, #tpu.memory_space<hbm>> -> memref<128x128xf32, #tpu.memory_space<hbm>>
      tpu.enqueue_dma source(%arg6 : memref<128x128xf32, #tpu.memory_space<vmem>>) target(%dma_start3A_68 : memref<128x128xf32, #tpu.memory_space<hbm>>) target_semaphore(%run_scoped3A : memref<!tpu.dma_semaphore, #tpu.memory_space<semaphore_mem>>)
      %dma_wait3A_69 = arith.constant 0 : i32
      %dma_wait3A_70 = tpu.memref_slice %arg4[%add3A_58, %dma_wait3A_69] : memref<32768x128xf32, #tpu.memory_space<hbm>> -> memref<128x128xf32, #tpu.memory_space<hbm>>
      %dma_wait3A_71 = arith.constant 0 : i32
      %dma_wait3A_72 = tpu.memref_slice %arg4[%add3A_58, %dma_wait3A_71] : memref<32768x128xf32, #tpu.memory_space<hbm>> -> memref<128x128xf32, #tpu.memory_space<hbm>>
      tpu.wait_dma2 semaphore(%run_scoped3A : memref<!tpu.dma_semaphore, #tpu.memory_space<semaphore_mem>>) src(%arg6 : memref<128x128xf32, #tpu.memory_space<vmem>>) dst(%dma_wait3A_72 : memref<128x128xf32, #tpu.memory_space<hbm>>)
      tpu.yield
    }) : () -> ()
    return
  }
}

module attributes {stable_mosaic.version = 14 : i64} {
  func.func @_vq_kernel(%arg0: i32, %arg1: i32, %arg2: memref<1x64x512xf32, #tpu.memory_space<vmem>>, %arg3: memref<2048x64xf32, #tpu.memory_space<vmem>>, %arg4: memref<1x1x1x512xi32, #tpu.memory_space<vmem>>, %arg5: memref<1x1xf32, #tpu.memory_space<vmem>>, %arg6: memref<1x1xf32, #tpu.memory_space<vmem>>, %arg7: memref<1x1xf32, #tpu.memory_space<vmem>>) attributes {dimension_semantics = [#tpu.dimension_semantics<arbitrary>, #tpu.dimension_semantics<arbitrary>], iteration_bounds = array<i64: 4, 16>, scalar_prefetch = 0 : i64, scratch_operands = 0 : i64, tpu.core_type = #tpu.core_type<tc>, window_params = [{transform_indices = @transform_0, window_bounds = array<i64: 1, 64, 512>}, {pipeline_mode = #tpu.pipeline_mode<synchronous>, transform_indices = @transform_1, window_bounds = array<i64: 2048, 64>}, {transform_indices = @transform_2, window_bounds = array<i64: 1, 1, 1, 512>}, {pipeline_mode = #tpu.pipeline_mode<synchronous>, transform_indices = @transform_3, window_bounds = array<i64: 1, 1>}, {pipeline_mode = #tpu.pipeline_mode<synchronous>, transform_indices = @transform_4, window_bounds = array<i64: 1, 1>}, {pipeline_mode = #tpu.pipeline_mode<synchronous>, transform_indices = @transform_5, window_bounds = array<i64: 1, 1>}]} {
    %get3A = arith.constant 0 : index
    %get3A_0 = arith.constant 0 : index
    %get3A_1 = arith.constant 0 : index
    %get3A_2 = vector.load %arg2[%get3A, %get3A_0, %get3A_1] : memref<1x64x512xf32, #tpu.memory_space<vmem>>, vector<1x64x512xf32>
    %get3A_3 = vector.shape_cast %get3A_2 : vector<1x64x512xf32> to vector<64x512xf32>
    %get3A_4 = arith.constant 0 : index
    %get3A_5 = arith.constant 0 : index
    %get3A_6 = vector.load %arg3[%get3A_4, %get3A_5] : memref<2048x64xf32, #tpu.memory_space<vmem>>, vector<2048x64xf32>
    %dot_general3A = arith.constant dense<0.000000e+00> : vector<2048x512xf32>
    %dot_general3A_7 = tpu.matmul %get3A_6, %get3A_3, %dot_general3A {dimension_numbers = #tpu.dot_dimension_numbers<[1], [0], [0], [1], [0, 0, 1, 1], [], []>, transpose_lhs_hint = false} : vector<2048x64xf32>, vector<64x512xf32>, vector<2048x512xf32> -> vector<2048x512xf32>
    %mul3A = arith.mulf %get3A_3, %get3A_3 : vector<64x512xf32>
    %reduce_sum3A = arith.constant dense<0.000000e+00> : vector<512xf32>
    %reduce_sum3A_8 = vector.multi_reduction <add>, %mul3A, %reduce_sum3A [0] : vector<64x512xf32> to vector<512xf32>
    %broadcast_in_dim3A = vector.shape_cast %reduce_sum3A_8 : vector<512xf32> to vector<1x512xf32>
    %mul3A_9 = arith.mulf %get3A_6, %get3A_6 : vector<2048x64xf32>
    %reduce_sum3A_10 = arith.constant dense<0.000000e+00> : vector<2048xf32>
    %reduce_sum3A_11 = vector.multi_reduction <add>, %mul3A_9, %reduce_sum3A_10 [1] : vector<2048x64xf32> to vector<2048xf32>
    %broadcast_in_dim3A_12 = vector.shape_cast %reduce_sum3A_11 : vector<2048xf32> to vector<2048x1xf32>
    %mul3A_13 = arith.constant 2.000000e+00 : f32
    %mul3A_14 = vector.broadcast %mul3A_13 : f32 to vector<2048x512xf32>
    %mul3A_15 = arith.mulf %mul3A_14, %dot_general3A_7 : vector<2048x512xf32>
    %sub3A = vector.broadcast %broadcast_in_dim3A : vector<1x512xf32> to vector<2048x512xf32>
    %sub3A_16 = arith.subf %sub3A, %mul3A_15 : vector<2048x512xf32>
    %add3A = vector.broadcast %broadcast_in_dim3A_12 : vector<2048x1xf32> to vector<2048x512xf32>
    %add3A_17 = arith.addf %sub3A_16, %add3A : vector<2048x512xf32>
    %reduce_min3A = arith.constant dense<0x7F800000> : vector<512xf32>
    %reduce_min3A_18 = vector.multi_reduction <minimumf>, %add3A_17, %reduce_min3A [0] : vector<2048x512xf32> to vector<512xf32>
    %broadcast_in_dim3A_19 = vector.shape_cast %reduce_min3A_18 : vector<512xf32> to vector<1x512xf32>
    %le3A = vector.broadcast %broadcast_in_dim3A_19 : vector<1x512xf32> to vector<2048x512xf32>
    %le3A_20 = arith.cmpf ole, %add3A_17, %le3A : vector<2048x512xf32>
    %iota3A = tpu.iota {dimensions = array<i32: 0>} : vector<2048x512xi32>
    %jit3A = arith.constant 2048 : i32
    %broadcast_in_dim3A_21 = vector.broadcast %jit3A : i32 to vector<2048x512xi32>
    %select_n3A = arith.select %le3A_20, %iota3A, %broadcast_in_dim3A_21 : vector<2048x512xi1>, vector<2048x512xi32>
    %reduce_min3A_22 = arith.constant dense<2147483647> : vector<512xi32>
    %reduce_min3A_23 = vector.multi_reduction <minsi>, %select_n3A, %reduce_min3A_22 [0] : vector<2048x512xi32> to vector<512xi32>
    %broadcast_in_dim3A_24 = vector.shape_cast %reduce_min3A_23 : vector<512xi32> to vector<1x512xi32>
    %swap3A = arith.constant 0 : index
    %swap3A_25 = arith.constant 0 : index
    %swap3A_26 = arith.constant 0 : index
    %swap3A_27 = arith.constant 0 : index
    %swap3A_28 = vector.load %arg4[%swap3A, %swap3A_25, %swap3A_26, %swap3A_27] : memref<1x1x1x512xi32, #tpu.memory_space<vmem>>, vector<1x1x1x512xi32>
    %swap3A_29 = vector.shape_cast %swap3A_28 : vector<1x1x1x512xi32> to vector<1x512xi32>
    %swap3A_30 = vector.shape_cast %broadcast_in_dim3A_24 : vector<1x512xi32> to vector<1x1x1x512xi32>
    tpu.vector_store %arg4[%swap3A, %swap3A_25, %swap3A_26, %swap3A_27], %swap3A_30 {strides = array<i32>} : memref<1x1x1x512xi32, #tpu.memory_space<vmem>>, vector<1x1x1x512xi32>,
    %eq3A = arith.constant 0 : i32
    %eq3A_31 = arith.cmpi eq, %arg0, %eq3A : i32
    %eq3A_32 = arith.constant 0 : i32
    %eq3A_33 = arith.cmpi eq, %arg1, %eq3A_32 : i32
    %and3A = arith.andi %eq3A_31, %eq3A_33 : i1
    %convert_element_type3A = arith.extui %and3A : i1 to i32
    %cond3A = arith.constant 0 : i32
    %cond3A_34 = arith.cmpi ne, %convert_element_type3A, %cond3A : i32
    scf.if %cond3A_34 {
      %broadcast_in_dim3A_74 = arith.constant 0.000000e+00 : f32
      %broadcast_in_dim3A_75 = vector.broadcast %broadcast_in_dim3A_74 : f32 to vector<1x1xf32>
      %swap3A_76 = arith.constant 0 : index
      %swap3A_77 = arith.constant 0 : index
      %swap3A_78 = vector.load %arg5[%swap3A_76, %swap3A_77] : memref<1x1xf32, #tpu.memory_space<vmem>>, vector<1x1xf32>
      tpu.vector_store %arg5[%swap3A_76, %swap3A_77], %broadcast_in_dim3A_75 {strides = array<i32>} : memref<1x1xf32, #tpu.memory_space<vmem>>, vector<1x1xf32>,
      %broadcast_in_dim3A_79 = arith.constant 0.000000e+00 : f32
      %broadcast_in_dim3A_80 = vector.broadcast %broadcast_in_dim3A_79 : f32 to vector<1x1xf32>
      %swap3A_81 = arith.constant 0 : index
      %swap3A_82 = arith.constant 0 : index
      %swap3A_83 = vector.load %arg6[%swap3A_81, %swap3A_82] : memref<1x1xf32, #tpu.memory_space<vmem>>, vector<1x1xf32>
      tpu.vector_store %arg6[%swap3A_81, %swap3A_82], %broadcast_in_dim3A_80 {strides = array<i32>} : memref<1x1xf32, #tpu.memory_space<vmem>>, vector<1x1xf32>,
      %broadcast_in_dim3A_84 = arith.constant 0.000000e+00 : f32
      %broadcast_in_dim3A_85 = vector.broadcast %broadcast_in_dim3A_84 : f32 to vector<1x1xf32>
      %swap3A_86 = arith.constant 0 : index
      %swap3A_87 = arith.constant 0 : index
      %swap3A_88 = vector.load %arg7[%swap3A_86, %swap3A_87] : memref<1x1xf32, #tpu.memory_space<vmem>>, vector<1x1xf32>
      tpu.vector_store %arg7[%swap3A_86, %swap3A_87], %broadcast_in_dim3A_85 {strides = array<i32>} : memref<1x1xf32, #tpu.memory_space<vmem>>, vector<1x1xf32>,
    } else {
    }
    %get3A_35 = arith.constant 0 : index
    %get3A_36 = arith.constant 0 : index
    %get3A_37 = vector.load %arg5[%get3A_35, %get3A_36] : memref<1x1xf32, #tpu.memory_space<vmem>>, vector<1x1xf32>
    %reduce_sum3A_38 = vector.shape_cast %get3A_3 : vector<64x512xf32> to vector<1x64x512xf32>
    %reduce_sum3A_39 = arith.constant dense<0.000000e+00> : vector<1xf32>
    %reduce_sum3A_40 = vector.multi_reduction <add>, %reduce_sum3A_38, %reduce_sum3A_39 [1, 2] : vector<1x64x512xf32> to vector<1xf32>
    %reduce_sum3A_41 = vector.shape_cast %reduce_sum3A_40 : vector<1xf32> to vector<1x1x1xf32>
    %reduce_sum3A_42 = vector.extract %reduce_sum3A_41[0, 0, 0] : f32 from vector<1x1x1xf32>
    %reshape3A = vector.broadcast %reduce_sum3A_42 : f32 to vector<1x1xf32>
    %add3A_43 = arith.addf %get3A_37, %reshape3A : vector<1x1xf32>
    %swap3A_44 = arith.constant 0 : index
    %swap3A_45 = arith.constant 0 : index
    %swap3A_46 = vector.load %arg5[%swap3A_44, %swap3A_45] : memref<1x1xf32, #tpu.memory_space<vmem>>, vector<1x1xf32>
    tpu.vector_store %arg5[%swap3A_44, %swap3A_45], %add3A_43 {strides = array<i32>} : memref<1x1xf32, #tpu.memory_space<vmem>>, vector<1x1xf32>,
    %get3A_47 = arith.constant 0 : index
    %get3A_48 = arith.constant 0 : index
    %get3A_49 = vector.load %arg6[%get3A_47, %get3A_48] : memref<1x1xf32, #tpu.memory_space<vmem>>, vector<1x1xf32>
    %mul3A_50 = arith.mulf %get3A_3, %get3A_3 : vector<64x512xf32>
    %reduce_sum3A_51 = vector.shape_cast %mul3A_50 : vector<64x512xf32> to vector<1x64x512xf32>
    %reduce_sum3A_52 = arith.constant dense<0.000000e+00> : vector<1xf32>
    %reduce_sum3A_53 = vector.multi_reduction <add>, %reduce_sum3A_51, %reduce_sum3A_52 [1, 2] : vector<1x64x512xf32> to vector<1xf32>
    %reduce_sum3A_54 = vector.shape_cast %reduce_sum3A_53 : vector<1xf32> to vector<1x1x1xf32>
    %reduce_sum3A_55 = vector.extract %reduce_sum3A_54[0, 0, 0] : f32 from vector<1x1x1xf32>
    %reshape3A_56 = vector.broadcast %reduce_sum3A_55 : f32 to vector<1x1xf32>
    %add3A_57 = arith.addf %get3A_49, %reshape3A_56 : vector<1x1xf32>
    %swap3A_58 = arith.constant 0 : index
    %swap3A_59 = arith.constant 0 : index
    %swap3A_60 = vector.load %arg6[%swap3A_58, %swap3A_59] : memref<1x1xf32, #tpu.memory_space<vmem>>, vector<1x1xf32>
    tpu.vector_store %arg6[%swap3A_58, %swap3A_59], %add3A_57 {strides = array<i32>} : memref<1x1xf32, #tpu.memory_space<vmem>>, vector<1x1xf32>,
    %get3A_61 = arith.constant 0 : index
    %get3A_62 = arith.constant 0 : index
    %get3A_63 = vector.load %arg7[%get3A_61, %get3A_62] : memref<1x1xf32, #tpu.memory_space<vmem>>, vector<1x1xf32>
    %reduce_sum3A_64 = vector.shape_cast %broadcast_in_dim3A_19 : vector<1x512xf32> to vector<1x1x512xf32>
    %reduce_sum3A_65 = arith.constant dense<0.000000e+00> : vector<1xf32>
    %reduce_sum3A_66 = vector.multi_reduction <add>, %reduce_sum3A_64, %reduce_sum3A_65 [1, 2] : vector<1x1x512xf32> to vector<1xf32>
    %reduce_sum3A_67 = vector.shape_cast %reduce_sum3A_66 : vector<1xf32> to vector<1x1x1xf32>
    %reduce_sum3A_68 = vector.extract %reduce_sum3A_67[0, 0, 0] : f32 from vector<1x1x1xf32>
    %reshape3A_69 = vector.broadcast %reduce_sum3A_68 : f32 to vector<1x1xf32>
    %add3A_70 = arith.addf %get3A_63, %reshape3A_69 : vector<1x1xf32>
    %swap3A_71 = arith.constant 0 : index
    %swap3A_72 = arith.constant 0 : index
    %swap3A_73 = vector.load %arg7[%swap3A_71, %swap3A_72] : memref<1x1xf32, #tpu.memory_space<vmem>>, vector<1x1xf32>
    tpu.vector_store %arg7[%swap3A_71, %swap3A_72], %add3A_70 {strides = array<i32>} : memref<1x1xf32, #tpu.memory_space<vmem>>, vector<1x1xf32>,
    return
  }
  func.func @transform_0(%arg0: i32, %arg1: i32) -> (i32, i32, i32) {
    %c0_i32 = arith.constant 0 : i32
    %c0_i32_0 = arith.constant 0 : i32
    return %arg0, %c0_i32, %arg1 : i32, i32, i32
  }
  func.func @transform_1(%arg0: i32, %arg1: i32) -> (i32, i32) {
    %c0_i32 = arith.constant 0 : i32
    %c0_i32_0 = arith.constant 0 : i32
    %c0_i32_1 = arith.constant 0 : i32
    return %c0_i32, %c0_i32_0 : i32, i32
  }
  func.func @transform_2(%arg0: i32, %arg1: i32) -> (i32, i32, i32, i32) {
    %c0_i32 = arith.constant 0 : i32
    %c0_i32_0 = arith.constant 0 : i32
    %c0_i32_1 = arith.constant 0 : i32
    return %arg0, %arg1, %c0_i32, %c0_i32_0 : i32, i32, i32, i32
  }
  func.func @transform_3(%arg0: i32, %arg1: i32) -> (i32, i32) {
    %c0_i32 = arith.constant 0 : i32
    %c0_i32_0 = arith.constant 0 : i32
    %c0_i32_1 = arith.constant 0 : i32
    return %c0_i32, %c0_i32_0 : i32, i32
  }
  func.func @transform_4(%arg0: i32, %arg1: i32) -> (i32, i32) {
    %c0_i32 = arith.constant 0 : i32
    %c0_i32_0 = arith.constant 0 : i32
    %c0_i32_1 = arith.constant 0 : i32
    return %c0_i32, %c0_i32_0 : i32, i32
  }
  func.func @transform_5(%arg0: i32, %arg1: i32) -> (i32, i32) {
    %c0_i32 = arith.constant 0 : i32
    %c0_i32_0 = arith.constant 0 : i32
    %c0_i32_1 = arith.constant 0 : i32
    return %c0_i32, %c0_i32_0 : i32, i32
  }
}

</mosaic_0001>

<sc_bundles>
// kernel: kernel.4.cloned.1.call-start
scs
__scs_entry_jumppad:
0x0: {  	(pc) =	sbr.rel $0x88, $3  }
0x1: {  	(tag) =	ssettag $0x0;
	lr =	simm.s32 $0x1  }
0x2: {  	[smem:$0x3F9F] =	sst lr;
	_ =	strace $0xD0000000  }
0x3: {  	_ = 	snop  }
0x4: {  	_ = 	snop  }
0x5: {  	_ = 	snop  }
0x6: {  	_ = 	snop  }
0x7: {  	_ = 	snop  }
__scs_overlays_trampoline_lowered:
0x8: {  	[smem:$0x3FAE] =	sst s0  }
0x9: {  	[smem:$0x3FAF] =	sst s1  }
0xa: {  	[smem:$0x3FB0] =	sst s2  }
0xb: {  	[smem:$0x3FB1] =	sst s3  }
0xc: {  	[smem:$0x3FB2] =	sst s4  }
0xd: {  	[smem:$0x3FB3] =	sst s5  }
0xe: {  	[smem:$0x3FB4] =	sst s6  }
0xf: {  	[smem:$0x3FB5] =	sst s7  }
0x10: {  	[smem:$0x3FB6] =	sst s8  }
0x11: {  	[smem:$0x3FB7] =	sst s9;
	s0 =	simm.s32 @!p0 $0x0  }
0x12: {  	s1 =	sld [smem:$0x3F9D];
	s0 =	simm.s32 @p0 $0x1  }
0x13: {  	[smem:$0x3FB8] =	sst s0;
	s0 =	simm.s32 @!p1 $0x0  }
0x14: {  	s2 =	sld [smem:$0x3F9C];
	s0 =	simm.s32 @p1 $0x1  }
0x15: {  	[smem:$0x3FB9] =	sst s0;
	s0 =	simm.s32 @!p2 $0x0  }
0x16: {  	s3 =	sld [smem:$0x3FDB];
	s0 =	simm.s32 @p2 $0x1  }
0x17: {  	s4 =	simm.s32 $0x1BF5;
	[smem:$0x3FBB] =	sst s0  }
0x18: {  	s0 =	sld [smem:$0x3F9E];
	_ =	swait.ge [sflag:s4], $0x0  }
0x19: {  	s7 =	sld [smem:$0x3F9F]  }
0x1a: {  	s8 =	sadd.s32 $0xFFFFE003, lr  }
0x1b: {  	s9 =	sadd.s32 $0xFFFFFEF7, lr;
	s5 =	simm.s32 $0xFFFFFFFF;
	p2 =	slt.u32 s8, $0xFFFFF086  }
0x1c: {  	p1 =	slt.u32 s9, $0xF7A;
	s5 =	simm.s32 @!p2 $0x0  }
0x1d: {  	s5 =	simm.s32 @p1 $0x1;
	p0 =	seq.s32 s7, s2  }
0x1e: {  	s7 =	smul.u32 @!p0 $0xF7A, s2;
	p2 =	seq.s32 @!p0 s5, $0x0  }
0x1f: {  	s9 =	smul.u32 $0xF7A, s1;
	s8 =	simm.s32 @!p0 $0x1BF5;
	p2 =	por !p2, p0  }
0x20: {  	[sflag:s8] =	ssyncset.s32 @!p0 $0xFFFFF086;
	s6 =	sadd.s32 @!p0 s3, s7;
	s7 =	simm.s32 @!p0 $0x108  }
0x21: {  	s3 =	sadd.s32 s3, s9;
	s6 =	sadd.s32 @!p0 $0x88, s6;
	s7 =	simm.s32 @p2 $0x1082  }
0x22: {  	[simem:s7], [sflag:s8] =	dma.local @!p0 [hbm:s6], $0xF7A  }
0x23: {  	s9 =	sor.u32 $0xD0000000, s2;
	s6 =	simm.s32 $0x108;
	_ =	swait.ge @!p0 [sflag:s8], $0x0  }
0x24: {  	s3 =	sadd.s32 $0x88, s3;
	s6 =	simm.s32 @!p1 $0x1082;
	[sflag:s4] =	ssyncset.s32 $0xFFFFF086  }
0x25: {  	[simem:s6], [sflag:s4] =	dma.local [hbm:s3], $0xF7A  }
0x26: {  	[smem:$0x3F9F] =	sst s1;
	(tag) =	ssettag s2;
	_ =	strace s9  }
0x27: {  	s1 =	sld [smem:$0x3FAF]  }
0x28: {  	s2 =	sld [smem:$0x3FB0]  }
0x29: {  	s4 =	sld [smem:$0x3FB2]  }
0x2a: {  	p0 =	seq.s32 s5, $0x0;
	s5 =	sld [smem:$0x3FB3]  }
0x2b: {  	s6 =	sld [smem:$0x3FB4]  }
0x2c: {  	s7 =	sld [smem:$0x3FB5]  }
0x2d: {  	s3 =	simm.s32 $0x108;
	s8 =	sld [smem:$0x3FB6]  }
0x2e: {  	s3 =	simm.s32 @!p0 $0x1082;
	s9 =	sld [smem:$0x3FB7]  }
0x2f: {  	lr =	sadd.s32 s0, s3;
	s0 =	sld [smem:$0x3FAE]  }
0x30: {  	s3 =	sld [smem:$0x3FB1]  }
0x31: {  	[smem:$0x3FBA] =	sst s10  }
0x32: {  	s10 =	sld [smem:$0x3FB8];
	_ =	sdelay $0x3  }
0x33: {  	p0 =	seq.s32 s10, $0x1;
	s10 =	sld [smem:$0x3FBA];
	_ =	sdelay $0x3  }
0x34: {  	[smem:$0x3FBA] =	sst s10  }
0x35: {  	s10 =	sld [smem:$0x3FB9];
	_ =	sdelay $0x3  }
0x36: {  	p1 =	seq.s32 s10, $0x1;
	s10 =	sld [smem:$0x3FBA];
	_ =	sdelay $0x3  }
0x37: {  	[smem:$0x3FBA] =	sst s10  }
0x38: {  	s10 =	sld [smem:$0x3FBB]  }
0x39: {  	_ = 	snop;
	(pc) =	sbr.ind lr, $3  }
0x3a: {  	_ = 	snop  }
0x3b: {  	_ = 	snop  }
0x3c: {  	p2 =	seq.s32 s10, $0x1;
	s10 =	sld [smem:$0x3FBA]  }
0x3d: {  	_ =	shalt  }
0x3e: {  	_ =	shalt  }
0x3f: {  	_ =	shalt  }
0x40: {  	_ =	shalt  }
0x41: {  	_ =	shalt  }
0x42: {  	_ =	shalt  }
0x43: {  	_ =	shalt  }
0x44: {  	_ =	shalt  }
0x45: {  	_ =	shalt  }
0x46: {  	_ =	shalt  }
0x47: {  	_ =	shalt  }
0x48: {  	_ =	shalt  }
0x49: {  	_ =	shalt  }
0x4a: {  	_ =	shalt  }
0x4b: {  	_ =	shalt  }
0x4c: {  	_ =	shalt  }
0x4d: {  	_ =	shalt  }
0x4e: {  	_ =	shalt  }
0x4f: {  	_ =	shalt  }
0x50: {  	_ =	shalt  }
0x51: {  	_ =	shalt  }
0x52: {  	_ =	shalt  }
0x53: {  	_ =	shalt  }
0x54: {  	_ =	shalt  }
0x55: {  	_ =	shalt  }
0x56: {  	_ =	shalt  }
0x57: {  	_ =	shalt  }
0x58: {  	_ =	shalt  }
0x59: {  	_ =	shalt  }
0x5a: {  	_ =	shalt  }
0x5b: {  	_ =	shalt  }
0x5c: {  	_ =	shalt  }
0x5d: {  	_ =	shalt  }
0x5e: {  	_ =	shalt  }
0x5f: {  	_ =	shalt  }
0x60: {  	_ =	shalt  }
0x61: {  	_ =	shalt  }
0x62: {  	_ =	shalt  }
0x63: {  	_ =	shalt  }
0x64: {  	_ =	shalt  }
0x65: {  	_ =	shalt  }
0x66: {  	_ =	shalt  }
0x67: {  	_ =	shalt  }
0x68: {  	_ =	shalt  }
0x69: {  	_ =	shalt  }
0x6a: {  	_ =	shalt  }
0x6b: {  	_ =	shalt  }
0x6c: {  	_ =	shalt  }
0x6d: {  	_ =	shalt  }
0x6e: {  	_ =	shalt  }
0x6f: {  	_ =	shalt  }
0x70: {  	_ =	shalt  }
0x71: {  	_ =	shalt  }
0x72: {  	_ =	shalt  }
0x73: {  	_ =	shalt  }
0x74: {  	_ =	shalt  }
0x75: {  	_ =	shalt  }
0x76: {  	_ =	shalt  }
0x77: {  	_ =	shalt  }
0x78: {  	_ =	shalt  }
0x79: {  	_ =	shalt  }
0x7a: {  	_ =	shalt  }
0x7b: {  	_ =	shalt  }
0x7c: {  	_ =	shalt  }
0x7d: {  	_ =	shalt  }
0x7e: {  	_ =	shalt  }
0x7f: {  	_ =	shalt  }
0x80: {  	_ =	shalt  }
0x81: {  	_ =	shalt  }
0x82: {  	_ =	shalt  }
0x83: {  	_ =	shalt  }
0x84: {  	_ =	shalt  }
0x85: {  	_ =	shalt  }
0x86: {  	_ =	shalt  }
0x87: {  	_ =	shalt  }
.Lfunc_end0:
.L_simem_size_0:
called_computation_lowered:
.L_overlay_start_0:
0x88: {  	s2 =	sld [smem:$0x3FD9]  }
0x89: {  	s3 =	sld [smem:$0x3FFE];
	_ =	sdelay $0x1  }
0x8a: {  	s1 =	srdreg.scid  }
0x8b: {  	s0 =	sand.u32 $0x1, s1  }
0x8c: {  	s14 =	sshll.u32 s0, $0xA;
	s2 =	sadd.s32 s3, s2  }
0x8d: {  	s2 =	sadd.s32 s2, s14  }
0x8e: {  	[smem:$0x3FC6] =	sst s2  }
0x8f: {  	_ = 	snop  }
0x90: {  	s2 =	sld [smem:$0x3FD0];
	_ =	sdelay $0x2  }
0x91: {  	s15 =	simm.s32 $0xA;
	s4 =	simm.s32 $0x10  }
0x92: {  	[smem:s4], [sflag:s15] =	dma.local [hbm:s2], $0x1  }
0x93: {  	_ =	swait.eq [sflag:s15], $0x1  }
0x94: {  	[sflag:s15] =	ssyncset.done $0x0  }
0x95: {  	[sflag:s15] =	ssyncadd.s32 $0xFFFFFFFF  }
0x96: {  	s16 =	sld [smem:$0x11];
	(tm) =	ssettm $0x1  }
0x97: {  	s17 =	sld [smem:$0x3FFB];
	_ =	sdelay $0x3  }
0x98: {  	_ =	strace s17  }
0x99: {  	s3 =	sld [smem:$0x3FFC];
	_ =	sdelay $0x3  }
0x9a: {  	_ =	strace s3  }
0x9b: {  	s3 =	sld [smem:$0x3FFD];
	_ =	sdelay $0x3  }
0x9c: {  	_ =	strace s3  }
0x9d: {  	_ =	strace $0x8FFFFFFF  }
0x9e: {  	s18 =	sld [smem:$0x3FDB];
	_ =	sdelay $0x1  }
0x9f: {  	s19 =	simm.s32 $_scs_section_size  }
0xa0: {  	s5 =	simm.s32 $_size__tile_overlayer_lowered;
	s6 =	simm.s32 $_tile_overlayer_lowered  }
0xa1: {  	s22 =	simm.s32 $0x1BFF;
	s21 =	sshll.u32 s6, $0x1;
	s3 =	sadd.s32 s19, s18  }
0xa2: {  	s7 =	simm.s32 $0x0;
	s20 =	sshll.u32 s5, $0x1;
	s5 =	sadd.s32 s21, s3  }
0xa3: {  	[timem:s7], [sflag:s22] =	dma.local [hbm:s5], s20  }
0xa4: {  	_ =	swait.ge [sflag:s22], s20  }
0xa5: {  	s4 =	ssub.s32 $0x0, s20;
	[sflag:s22] =	ssyncset.done $0x0  }
0xa6: {  	[sflag:s22] =	ssyncadd.s32 s4;
	_ =	sdelay $0x1  }
0xa7: {  	s23 =	simm.s32 $0x1B8B  }
0xa8: {  	_ =	swait.ge [sflag:s23], $0x1  }
0xa9: {  	[sflag:s23] =	ssyncset.done $0x0  }
0xaa: {  	s25 =	simm.s32 $0x1B8E;
	s24 =	sld [smem:$0x3FFE];
	[sflag:s23] =	ssyncadd.s32 $0xFFFFFFFF  }
0xab: {  	s26 =	simm.s32 $execute0_lowered;
	[smem:$0x3FD2] =	sst s25  }
0xac: {  	s5 =	sshll.u32 s26, $0x1;
	_ =	strace $0x80000046;
	[dreg:$0x1] =	wrdreg $0xFFFFFFFF  }
0xad: {  	s28 =	simm.s32 $_size_execute0_lowered;
	s3 =	sadd.s32 s3, s5;
	[dreg:$0x0] =	wrdreg $0x0  }
0xae: {  	s5 =	sshll.u32 s28, $0x1;
	[dreg:$0x2] =	wrdreg s3  }
0xaf: {  	[dreg:$0x3] =	wrdreg s5  }
0xb0: {  	[dreg:$0x4] =	wrdreg $0xC0  }
0xb1: {  	_ =	task [dreg:s7], $0x5FFFF  }
0xb2: {  	[dreg:$0x1] =	wrdreg $0xFFFFFFFF  }
0xb3: {  	[dreg:$0x0] =	wrdreg $0x60  }
0xb4: {  	[dreg:$0x2] =	wrdreg s16  }
0xb5: {  	[dreg:$0x3] =	wrdreg s24  }
0xb6: {  	[dreg:$0x4] =	wrdreg $0x9  }
0xb7: {  	_ =	task.clear_ibuf [dreg:s7], $0x5FFFF;
	_ =	strace $0x90000046  }
0xb8: {  	s29 =	simm.s32 $0x9;
	_ =	strace $0x80000048  }
0xb9: {  	_ =	swait.ge [sflag:s29], $0x1  }
0xba: {  	[sflag:s29] =	ssyncadd.s32 $0xFFFFFFFF  }
0xbb: {  	_ =	strace $0x90000048  }
0xbc: {  	_ =	sfence  }
0xbd: {  	s30 =	sld [smem:$0x0];
	_ =	sdelay $0x2  }
0xbe: {  	s31 =	sshll.u32 s1, $0xD;
	s1 =	sshrl.u32 s1, $0x2  }
0xbf: {  	s3 =	sand.u32 $0x4000, s31;
	s1 =	sadd.s32 s1, s30  }
0xc0: {  	s0 =	sor.u32 s3, s0;
	s1 =	sshll.u32 s1, $0x11  }
0xc1: {  	s0 =	sor.u32 s1, s0  }
0xc2: {  	s0 =	sadd.s32 $0x8F2B, s0  }
0xc3: {  	[sflag:s0] =	ssyncadd.remote.s32 $0x1  }
0xc4: {  	_ =	sfence.sel $0xFFFF  }
0xc5: {  	[dreg:$0x0] =	wrdreg $0xFFFFFFFF;
	(pc) =	sbr.abs _section_cstart, $3  }
0xc6: {  	[dreg:$0x1] =	wrdreg $0xFFFFFFFF  }
0xc7: {  	_ =	task.clear_ibuf [dreg:s7], $0x2FFFF;
	_ =	strace $0x9FFFFFFF  }
0xc8: {  	(tm) =	ssettm $0x7FFFFFFF  }
0xc9: {  	_ =	shalt  }
tec
execute0_lowered:
.L_overlay_start_1:
0x0: {  	(tag) =	ssettag $0x1  }
0x1: {  	s1 =	srdreg.scid  }
0x2: {  	s2 =	rddreg [dreg:$0x0];
	s0 =	stileid.u32;
	s22 =	sand.u32 $0x1, s1  }
0x3: {  	s8 =	rddreg [dreg:$0x1];
	s4 =	sshll.u32 s0, $0xB;
	s5 =	sshll.u32 s22, $0xA  }
0x4: {  	s3 =	simm.s32 $0x0;
	s1 =	rddreg [dreg:$0x2];
	s24 =	sor.u32 s5, s4  }
0x5: {  	[smem:$0x7FF] =	sst s3;
	s21 =	sadd.s32 $0xA00, s8;
	s4 =	sshrl.u32 s24, $0x3  }
0x6: {  	_ =	strace $0x80000047;
	s5 =	sadd.s32 s21, s4;
	s4 =	simm.s32 $0x2  }
0x7: {  	[tilespmem:s3], [sflag:$0x2] =	stream.linear.gather [hbm4b:s5+s3], $0x80, $0x38;
	[tilespmem:$0x4080] =	vst v63  }
0x8: {  	_ =	swait.ge [sflag:s4], $0x80  }
0x9: {  	[sflag:s4] =	ssyncset.done $0x0  }
0xa: {  	s6 =	simm.s32 $0x80;
	s7 =	simm.s32 $0x1;
	[sflag:s4] =	ssyncadd.s32 $0xFFFFFF80  }
0xb: {  	[tilespmem:s6], [sflag:$0x1] =	stream.indirect.gather [hbm4b:s2+s6], $0x80, s3, s6, $0xb8;
	[tilespmem:$0x4080] =	vst v63  }
0xc: {  	_ =	swait.ge [sflag:s7], $0x4000  }
0xd: {  	s23 =	sadd.s32 $0x1A00, s8;
	s28 =	sshll.u32 s24, $0x4;
	[sflag:s7] =	ssyncset.done $0x0  }
0xe: {  	s8 =	sadd.s32 s23, s28;
	[sflag:s7] =	ssyncadd.s32 $0xFFFFC000  }
0xf: {  	[hbm4b:s8+s3] =	stream.linear.scatter [tilespmem:s6], [sflag:$0x2], $0x4000, $0x38;
	[tilespmem:$0x4080] =	vst v63  }
0x10: {  	s10 =	sor.u32 $0x80, s24;
	_ =	swait.ge [sflag:s4], $0x4000  }
0x11: {  	s9 =	sshrl.u32 s10, $0x3;
	[sflag:s4] =	ssyncset.done $0x0  }
0x12: {  	s9 =	sadd.s32 s21, s9;
	[sflag:s4] =	ssyncadd.s32 $0xFFFFC000  }
0x13: {  	[tilespmem:s3], [sflag:$0x2] =	stream.linear.gather [hbm4b:s9+s3], $0x80, $0x38;
	[tilespmem:$0x4080] =	vst v63  }
0x14: {  	_ =	swait.ge [sflag:s4], $0x80  }
0x15: {  	[sflag:s4] =	ssyncset.done $0x0  }
0x16: {  	[sflag:s4] =	ssyncadd.s32 $0xFFFFFF80  }
0x17: {  	[tilespmem:s6], [sflag:$0x1] =	stream.indirect.gather [hbm4b:s2+s6], $0x80, s3, s6, $0xb8;
	[tilespmem:$0x4080] =	vst v63  }
0x18: {  	_ =	swait.ge [sflag:s7], $0x4000  }
0x19: {  	s10 =	sshll.u32 s10, $0x4;
	[sflag:s7] =	ssyncset.done $0x0  }
0x1a: {  	s10 =	sadd.s32 s23, s10;
	[sflag:s7] =	ssyncadd.s32 $0xFFFFC000  }
0x1b: {  	[hbm4b:s10+s3] =	stream.linear.scatter [tilespmem:s6], [sflag:$0x2], $0x4000, $0x38;
	[tilespmem:$0x4080] =	vst v63  }
0x1c: {  	s12 =	sor.u32 $0x100, s24;
	_ =	swait.ge [sflag:s4], $0x4000  }
0x1d: {  	s11 =	sshrl.u32 s12, $0x3;
	[sflag:s4] =	ssyncset.done $0x0  }
0x1e: {  	s11 =	sadd.s32 s21, s11;
	[sflag:s4] =	ssyncadd.s32 $0xFFFFC000  }
0x1f: {  	[tilespmem:s3], [sflag:$0x2] =	stream.linear.gather [hbm4b:s11+s3], $0x80, $0x38;
	[tilespmem:$0x4080] =	vst v63  }
0x20: {  	_ =	swait.ge [sflag:s4], $0x80  }
0x21: {  	[sflag:s4] =	ssyncset.done $0x0  }
0x22: {  	[sflag:s4] =	ssyncadd.s32 $0xFFFFFF80  }
0x23: {  	[tilespmem:s6], [sflag:$0x1] =	stream.indirect.gather [hbm4b:s2+s6], $0x80, s3, s6, $0xb8;
	[tilespmem:$0x4080] =	vst v63  }
0x24: {  	_ =	swait.ge [sflag:s7], $0x4000  }
0x25: {  	s12 =	sshll.u32 s12, $0x4;
	[sflag:s7] =	ssyncset.done $0x0  }
0x26: {  	s12 =	sadd.s32 s23, s12;
	[sflag:s7] =	ssyncadd.s32 $0xFFFFC000  }
0x27: {  	[hbm4b:s12+s3] =	stream.linear.scatter [tilespmem:s6], [sflag:$0x2], $0x4000, $0x38;
	[tilespmem:$0x4080] =	vst v63  }
0x28: {  	s14 =	sor.u32 $0x180, s24;
	_ =	swait.ge [sflag:s4], $0x4000  }
0x29: {  	s13 =	sshrl.u32 s14, $0x3;
	[sflag:s4] =	ssyncset.done $0x0  }
0x2a: {  	s13 =	sadd.s32 s21, s13;
	[sflag:s4] =	ssyncadd.s32 $0xFFFFC000  }
0x2b: {  	[tilespmem:s3], [sflag:$0x2] =	stream.linear.gather [hbm4b:s13+s3], $0x80, $0x38;
	[tilespmem:$0x4080] =	vst v63  }
0x2c: {  	_ =	swait.ge [sflag:s4], $0x80  }
0x2d: {  	[sflag:s4] =	ssyncset.done $0x0  }
0x2e: {  	[sflag:s4] =	ssyncadd.s32 $0xFFFFFF80  }
0x2f: {  	[tilespmem:s6], [sflag:$0x1] =	stream.indirect.gather [hbm4b:s2+s6], $0x80, s3, s6, $0xb8;
	[tilespmem:$0x4080] =	vst v63  }
0x30: {  	_ =	swait.ge [sflag:s7], $0x4000  }
0x31: {  	s14 =	sshll.u32 s14, $0x4;
	[sflag:s7] =	ssyncset.done $0x0  }
0x32: {  	s14 =	sadd.s32 s23, s14;
	[sflag:s7] =	ssyncadd.s32 $0xFFFFC000  }
0x33: {  	[hbm4b:s14+s3] =	stream.linear.scatter [tilespmem:s6], [sflag:$0x2], $0x4000, $0x38;
	[tilespmem:$0x4080] =	vst v63  }
0x34: {  	s16 =	sor.u32 $0x200, s24;
	_ =	swait.ge [sflag:s4], $0x4000  }
0x35: {  	s15 =	sshrl.u32 s16, $0x3;
	[sflag:s4] =	ssyncset.done $0x0  }
0x36: {  	s15 =	sadd.s32 s21, s15;
	[sflag:s4] =	ssyncadd.s32 $0xFFFFC000  }
0x37: {  	[tilespmem:s3], [sflag:$0x2] =	stream.linear.gather [hbm4b:s15+s3], $0x80, $0x38;
	[tilespmem:$0x4080] =	vst v63  }
0x38: {  	_ =	swait.ge [sflag:s4], $0x80  }
0x39: {  	[sflag:s4] =	ssyncset.done $0x0  }
0x3a: {  	[sflag:s4] =	ssyncadd.s32 $0xFFFFFF80  }
0x3b: {  	[tilespmem:s6], [sflag:$0x1] =	stream.indirect.gather [hbm4b:s2+s6], $0x80, s3, s6, $0xb8;
	[tilespmem:$0x4080] =	vst v63  }
0x3c: {  	_ =	swait.ge [sflag:s7], $0x4000  }
0x3d: {  	s16 =	sshll.u32 s16, $0x4;
	[sflag:s7] =	ssyncset.done $0x0  }
0x3e: {  	s16 =	sadd.s32 s23, s16;
	[sflag:s7] =	ssyncadd.s32 $0xFFFFC000  }
0x3f: {  	[hbm4b:s16+s3] =	stream.linear.scatter [tilespmem:s6], [sflag:$0x2], $0x4000, $0x38;
	[tilespmem:$0x4080] =	vst v63  }
0x40: {  	s18 =	sor.u32 $0x280, s24;
	_ =	swait.ge [sflag:s4], $0x4000  }
0x41: {  	s17 =	sshrl.u32 s18, $0x3;
	[sflag:s4] =	ssyncset.done $0x0  }
0x42: {  	s17 =	sadd.s32 s21, s17;
	[sflag:s4] =	ssyncadd.s32 $0xFFFFC000  }
0x43: {  	[tilespmem:s3], [sflag:$0x2] =	stream.linear.gather [hbm4b:s17+s3], $0x80, $0x38;
	[tilespmem:$0x4080] =	vst v63  }
0x44: {  	_ =	swait.ge [sflag:s4], $0x80  }
0x45: {  	[sflag:s4] =	ssyncset.done $0x0  }
0x46: {  	[sflag:s4] =	ssyncadd.s32 $0xFFFFFF80  }
0x47: {  	[tilespmem:s6], [sflag:$0x1] =	stream.indirect.gather [hbm4b:s2+s6], $0x80, s3, s6, $0xb8;
	[tilespmem:$0x4080] =	vst v63  }
0x48: {  	_ =	swait.ge [sflag:s7], $0x4000  }
0x49: {  	s18 =	sshll.u32 s18, $0x4;
	[sflag:s7] =	ssyncset.done $0x0  }
0x4a: {  	s18 =	sadd.s32 s23, s18;
	[sflag:s7] =	ssyncadd.s32 $0xFFFFC000  }
0x4b: {  	[hbm4b:s18+s3] =	stream.linear.scatter [tilespmem:s6], [sflag:$0x2], $0x4000, $0x38;
	[tilespmem:$0x4080] =	vst v63  }
0x4c: {  	s20 =	sor.u32 $0x300, s24;
	_ =	swait.ge [sflag:s4], $0x4000  }
0x4d: {  	s19 =	sshrl.u32 s20, $0x3;
	[sflag:s4] =	ssyncset.done $0x0  }
0x4e: {  	s19 =	sadd.s32 s21, s19;
	[sflag:s4] =	ssyncadd.s32 $0xFFFFC000  }
0x4f: {  	[tilespmem:s3], [sflag:$0x2] =	stream.linear.gather [hbm4b:s19+s3], $0x80, $0x38;
	[tilespmem:$0x4080] =	vst v63  }
0x50: {  	_ =	swait.ge [sflag:s4], $0x80  }
0x51: {  	[sflag:s4] =	ssyncset.done $0x0  }
0x52: {  	[sflag:s4] =	ssyncadd.s32 $0xFFFFFF80  }
0x53: {  	[tilespmem:s6], [sflag:$0x1] =	stream.indirect.gather [hbm4b:s2+s6], $0x80, s3, s6, $0xb8;
	[tilespmem:$0x4080] =	vst v63  }
0x54: {  	_ =	swait.ge [sflag:s7], $0x4000  }
0x55: {  	s20 =	sshll.u32 s20, $0x4;
	[sflag:s7] =	ssyncset.done $0x0  }
0x56: {  	s20 =	sadd.s32 s23, s20;
	[sflag:s7] =	ssyncadd.s32 $0xFFFFC000  }
0x57: {  	[hbm4b:s20+s3] =	stream.linear.scatter [tilespmem:s6], [sflag:$0x2], $0x4000, $0x38;
	[tilespmem:$0x4080] =	vst v63  }
0x58: {  	s24 =	sor.u32 $0x380, s24;
	_ =	swait.ge [sflag:s4], $0x4000  }
0x59: {  	s25 =	sshrl.u32 s24, $0x3;
	[sflag:s4] =	ssyncset.done $0x0  }
0x5a: {  	s22 =	ssub.s32 $0x2, s22;
	s21 =	sadd.s32 s21, s25;
	[sflag:s4] =	ssyncadd.s32 $0xFFFFC000  }
0x5b: {  	[tilespmem:s3], [sflag:$0x2] =	stream.linear.gather [hbm4b:s21+s3], $0x80, $0x38;
	[tilespmem:$0x4080] =	vst v63  }
0x5c: {  	s29 =	sshrl.u32 s22, $0x1;
	_ =	swait.ge [sflag:s4], $0x80  }
0x5d: {  	s25 =	ssub.s32 s22, s29;
	[sflag:s4] =	ssyncset.done $0x0  }
0x5e: {  	s31 =	smax.u32 s25, $0x1;
	[sflag:s4] =	ssyncadd.s32 $0xFFFFFF80  }
0x5f: {  	[tilespmem:s6], [sflag:$0x1] =	stream.indirect.gather [hbm4b:s2+s6], $0x80, s3, s6, $0xb8;
	[tilespmem:$0x4080] =	vst v63  }
0x60: {  	p0 =	sne.s32 s31, $0x1;
	_ =	swait.ge [sflag:s7], $0x4000  }
.Ltmp0:
0x61: {  	s30 =	sshll.u32 s24, $0x4;
	[sflag:s7] =	ssyncset.done $0x0;
	(pc) =	sbr.rel @!p0 .LBB2_2-.Ltmp0, $4  }
0x62: {  	s22 =	sadd.s32 s23, s30;
	[sflag:s7] =	ssyncadd.s32 $0xFFFFC000  }
0x63: {  	[hbm4b:s22+s3] =	stream.linear.scatter [tilespmem:s6], [sflag:$0x2], $0x4000, $0x38;
	[tilespmem:$0x4080] =	vst v63  }
0x64: {  	_ =	swait.ge [sflag:s4], $0x4000  }
0x65: {  	s23 =	sadd.s32 $0xFFFFFFFF, s31;
	[sflag:s4] =	ssyncset.done $0x0  }
.LBB2_1:
0x66: {  	p0 =	sne.s32 s23, $0x1;
	s23 =	sadd.s32 $0xFFFFFFFF, s23;
	[sflag:s4] =	ssyncadd.s32 $0xFFFFC000  }
0x67: {  	[tilespmem:s3], [sflag:$0x2] =	stream.linear.gather [hbm4b:s5+s3], $0x80, $0x38;
	[tilespmem:$0x4080] =	vst v63  }
0x68: {  	_ =	swait.ge [sflag:s4], $0x80  }
0x69: {  	[sflag:s4] =	ssyncset.done $0x0  }
0x6a: {  	[sflag:s4] =	ssyncadd.s32 $0xFFFFFF80  }
0x6b: {  	[tilespmem:s6], [sflag:$0x1] =	stream.indirect.gather [hbm4b:s2+s6], $0x80, s3, s6, $0xb8;
	[tilespmem:$0x4080] =	vst v63  }
0x6c: {  	_ =	swait.ge [sflag:s7], $0x4000  }
0x6d: {  	[sflag:s7] =	ssyncset.done $0x0  }
0x6e: {  	[sflag:s7] =	ssyncadd.s32 $0xFFFFC000  }
0x6f: {  	[hbm4b:s8+s3] =	stream.linear.scatter [tilespmem:s6], [sflag:$0x2], $0x4000, $0x38;
	[tilespmem:$0x4080] =	vst v63  }
0x70: {  	_ =	swait.ge [sflag:s4], $0x4000  }
0x71: {  	[sflag:s4] =	ssyncset.done $0x0  }
0x72: {  	[sflag:s4] =	ssyncadd.s32 $0xFFFFC000  }
0x73: {  	[tilespmem:s3], [sflag:$0x2] =	stream.linear.gather [hbm4b:s9+s3], $0x80, $0x38;
	[tilespmem:$0x4080] =	vst v63  }
0x74: {  	_ =	swait.ge [sflag:s4], $0x80  }
0x75: {  	[sflag:s4] =	ssyncset.done $0x0  }
0x76: {  	[sflag:s4] =	ssyncadd.s32 $0xFFFFFF80  }
0x77: {  	[tilespmem:s6], [sflag:$0x1] =	stream.indirect.gather [hbm4b:s2+s6], $0x80, s3, s6, $0xb8;
	[tilespmem:$0x4080] =	vst v63  }
0x78: {  	_ =	swait.ge [sflag:s7], $0x4000  }
0x79: {  	[sflag:s7] =	ssyncset.done $0x0  }
0x7a: {  	[sflag:s7] =	ssyncadd.s32 $0xFFFFC000  }
0x7b: {  	[hbm4b:s10+s3] =	stream.linear.scatter [tilespmem:s6], [sflag:$0x2], $0x4000, $0x38;
	[tilespmem:$0x4080] =	vst v63  }
0x7c: {  	_ =	swait.ge [sflag:s4], $0x4000  }
0x7d: {  	[sflag:s4] =	ssyncset.done $0x0  }
0x7e: {  	[sflag:s4] =	ssyncadd.s32 $0xFFFFC000  }
0x7f: {  	[tilespmem:s3], [sflag:$0x2] =	stream.linear.gather [hbm4b:s11+s3], $0x80, $0x38;
	[tilespmem:$0x4080] =	vst v63  }
0x80: {  	_ =	swait.ge [sflag:s4], $0x80  }
0x81: {  	[sflag:s4] =	ssyncset.done $0x0  }
0x82: {  	[sflag:s4] =	ssyncadd.s32 $0xFFFFFF80  }
0x83: {  	[tilespmem:s6], [sflag:$0x1] =	stream.indirect.gather [hbm4b:s2+s6], $0x80, s3, s6, $0xb8;
	[tilespmem:$0x4080] =	vst v63  }
0x84: {  	_ =	swait.ge [sflag:s7], $0x4000  }
0x85: {  	[sflag:s7] =	ssyncset.done $0x0  }
0x86: {  	[sflag:s7] =	ssyncadd.s32 $0xFFFFC000  }
0x87: {  	[hbm4b:s12+s3] =	stream.linear.scatter [tilespmem:s6], [sflag:$0x2], $0x4000, $0x38;
	[tilespmem:$0x4080] =	vst v63  }
0x88: {  	_ =	swait.ge [sflag:s4], $0x4000  }
0x89: {  	[sflag:s4] =	ssyncset.done $0x0  }
0x8a: {  	[sflag:s4] =	ssyncadd.s32 $0xFFFFC000  }
0x8b: {  	[tilespmem:s3], [sflag:$0x2] =	stream.linear.gather [hbm4b:s13+s3], $0x80, $0x38;
	[tilespmem:$0x4080] =	vst v63  }
0x8c: {  	_ =	swait.ge [sflag:s4], $0x80  }
0x8d: {  	[sflag:s4] =	ssyncset.done $0x0  }
0x8e: {  	[sflag:s4] =	ssyncadd.s32 $0xFFFFFF80  }
0x8f: {  	[tilespmem:s6], [sflag:$0x1] =	stream.indirect.gather [hbm4b:s2+s6], $0x80, s3, s6, $0xb8;
	[tilespmem:$0x4080] =	vst v63  }
0x90: {  	_ =	swait.ge [sflag:s7], $0x4000  }
0x91: {  	[sflag:s7] =	ssyncset.done $0x0  }
0x92: {  	[sflag:s7] =	ssyncadd.s32 $0xFFFFC000  }
0x93: {  	[hbm4b:s14+s3] =	stream.linear.scatter [tilespmem:s6], [sflag:$0x2], $0x4000, $0x38;
	[tilespmem:$0x4080] =	vst v63  }
0x94: {  	_ =	swait.ge [sflag:s4], $0x4000  }
0x95: {  	[sflag:s4] =	ssyncset.done $0x0  }
0x96: {  	[sflag:s4] =	ssyncadd.s32 $0xFFFFC000  }
0x97: {  	[tilespmem:s3], [sflag:$0x2] =	stream.linear.gather [hbm4b:s15+s3], $0x80, $0x38;
	[tilespmem:$0x4080] =	vst v63  }
0x98: {  	_ =	swait.ge [sflag:s4], $0x80  }
0x99: {  	[sflag:s4] =	ssyncset.done $0x0  }
0x9a: {  	[sflag:s4] =	ssyncadd.s32 $0xFFFFFF80  }
0x9b: {  	[tilespmem:s6], [sflag:$0x1] =	stream.indirect.gather [hbm4b:s2+s6], $0x80, s3, s6, $0xb8;
	[tilespmem:$0x4080] =	vst v63  }
0x9c: {  	_ =	swait.ge [sflag:s7], $0x4000  }
0x9d: {  	[sflag:s7] =	ssyncset.done $0x0  }
0x9e: {  	[sflag:s7] =	ssyncadd.s32 $0xFFFFC000  }
0x9f: {  	[hbm4b:s16+s3] =	stream.linear.scatter [tilespmem:s6], [sflag:$0x2], $0x4000, $0x38;
	[tilespmem:$0x4080] =	vst v63  }
0xa0: {  	_ =	swait.ge [sflag:s4], $0x4000  }
0xa1: {  	[sflag:s4] =	ssyncset.done $0x0  }
0xa2: {  	[sflag:s4] =	ssyncadd.s32 $0xFFFFC000  }
0xa3: {  	[tilespmem:s3], [sflag:$0x2] =	stream.linear.gather [hbm4b:s17+s3], $0x80, $0x38;
	[tilespmem:$0x4080] =	vst v63  }
0xa4: {  	_ =	swait.ge [sflag:s4], $0x80  }
0xa5: {  	[sflag:s4] =	ssyncset.done $0x0  }
0xa6: {  	[sflag:s4] =	ssyncadd.s32 $0xFFFFFF80  }
0xa7: {  	[tilespmem:s6], [sflag:$0x1] =	stream.indirect.gather [hbm4b:s2+s6], $0x80, s3, s6, $0xb8;
	[tilespmem:$0x4080] =	vst v63  }
0xa8: {  	_ =	swait.ge [sflag:s7], $0x4000  }
0xa9: {  	[sflag:s7] =	ssyncset.done $0x0  }
0xaa: {  	[sflag:s7] =	ssyncadd.s32 $0xFFFFC000  }
0xab: {  	[hbm4b:s18+s3] =	stream.linear.scatter [tilespmem:s6], [sflag:$0x2], $0x4000, $0x38;
	[tilespmem:$0x4080] =	vst v63  }
0xac: {  	_ =	swait.ge [sflag:s4], $0x4000  }
0xad: {  	[sflag:s4] =	ssyncset.done $0x0  }
0xae: {  	[sflag:s4] =	ssyncadd.s32 $0xFFFFC000  }
0xaf: {  	[tilespmem:s3], [sflag:$0x2] =	stream.linear.gather [hbm4b:s19+s3], $0x80, $0x38;
	[tilespmem:$0x4080] =	vst v63  }
0xb0: {  	_ =	swait.ge [sflag:s4], $0x80  }
0xb1: {  	[sflag:s4] =	ssyncset.done $0x0  }
0xb2: {  	[sflag:s4] =	ssyncadd.s32 $0xFFFFFF80  }
0xb3: {  	[tilespmem:s6], [sflag:$0x1] =	stream.indirect.gather [hbm4b:s2+s6], $0x80, s3, s6, $0xb8;
	[tilespmem:$0x4080] =	vst v63  }
0xb4: {  	_ =	swait.ge [sflag:s7], $0x4000  }
0xb5: {  	[sflag:s7] =	ssyncset.done $0x0  }
0xb6: {  	[sflag:s7] =	ssyncadd.s32 $0xFFFFC000  }
0xb7: {  	[hbm4b:s20+s3] =	stream.linear.scatter [tilespmem:s6], [sflag:$0x2], $0x4000, $0x38;
	[tilespmem:$0x4080] =	vst v63  }
0xb8: {  	_ =	swait.ge [sflag:s4], $0x4000  }
0xb9: {  	[sflag:s4] =	ssyncset.done $0x0  }
0xba: {  	[sflag:s4] =	ssyncadd.s32 $0xFFFFC000  }
0xbb: {  	[tilespmem:s3], [sflag:$0x2] =	stream.linear.gather [hbm4b:s21+s3], $0x80, $0x38;
	[tilespmem:$0x4080] =	vst v63  }
0xbc: {  	_ =	swait.ge [sflag:s4], $0x80  }
0xbd: {  	[sflag:s4] =	ssyncset.done $0x0  }
0xbe: {  	[sflag:s4] =	ssyncadd.s32 $0xFFFFFF80  }
0xbf: {  	[tilespmem:s6], [sflag:$0x1] =	stream.indirect.gather [hbm4b:s2+s6], $0x80, s3, s6, $0xb8;
	[tilespmem:$0x4080] =	vst v63  }
0xc0: {  	_ =	swait.ge [sflag:s7], $0x4000  }
.Ltmp1:
0xc1: {  	[sflag:s7] =	ssyncset.done $0x0;
	(pc) =	sbr.rel @p0 .LBB2_1-.Ltmp1, $4  }
0xc2: {  	[sflag:s7] =	ssyncadd.s32 $0xFFFFC000  }
0xc3: {  	[hbm4b:s22+s3] =	stream.linear.scatter [tilespmem:s6], [sflag:$0x2], $0x4000, $0x38;
	[tilespmem:$0x4080] =	vst v63  }
0xc4: {  	_ =	swait.ge [sflag:s4], $0x4000  }
0xc5: {  	[sflag:s4] =	ssyncset.done $0x0  }
.LBB2_2:
0xc6: {  	[sflag:s4] =	ssyncadd.s32 $0xFFFFC000  }
0xc7: {  	_ =	sfence.sel $0x180000  }
0xc8: {  	[bflag:$0x0] =	sbarrier.arrive $0xFFFF  }
0xc9: {  	p0 =	sne.s32 s0, $0x0;
	_ =	strace $0x90000047  }
0xca: {  	s0 =	sadd.s32 @!p0 $0x100000, s1;
	[bflag:$0x2] =	sbarrier.arrive $0xFFFF  }
0xcb: {  	[sflag:s0] =	ssyncadd.tile.s32 @!p0 $0x1;
	_ =	shalt  }
.Lfunc_end2:
_tile_overlayer_lowered:
.L_overlay_start_2:
0xcc: {  	(tag) =	ssettag $0x2  }
0xcd: {  	s0 =	rddreg [dreg:$0x0];
	s2 =	stileid.u32  }
0xce: {  	s1 =	rddreg [dreg:$0x1];
	p0 =	sne.s32 s2, $0x0  }
0xcf: {  	s3 =	rddreg [dreg:$0x2];
	[bflag:$0x3] =	sbarrier.arrive $0xFFFF;
	s2 =	simm.s32 @!p0 $0x1C02  }
0xd0: {  	[timem:s3], [sflag:s2] =	dma.local @!p0 [hbm:s0], s1  }
0xd1: {  	s0 =	simm.s32 @!p0 $0x2  }
0xd2: {  	_ =	swait.ge @!p0 [sflag:s0], s1  }
0xd3: {  	s1 =	ssub.s32 @!p0 $0x0, s1;
	[sflag:s0] =	ssyncset.done @!p0 $0x0  }
0xd4: {  	[sflag:s0] =	ssyncadd.s32 @!p0 s1  }
0xd5: {  	[bflag:$0x3] =	sbarrier.arrive $0xFFFF  }
0xd6: {  	_ =	shalt  }

</sc_bundles>
